<compile_context>
chip_gen: v7x
topology: tpu7x:2x2x1
jax: 0.10.2.dev20260603
libtpu: 0.0.44.dev20260713+nightly
codegen_flags: <defaults>
</compile_context>

<pallas_src>
import functools

import jax
import jax.numpy as jnp
from jax import lax
from jax.experimental import pallas as pl
from jax.experimental.pallas import tpu as pltpu
from jax.experimental.pallas import tpu_sc as plsc

NN = 10000
EE = 320000
H = 128
LL = 4

NC = 2
NS = 16
NW = NC * NS
K = 80
WB = 80
NCH = NN // WB
CPS = -(-NCH // NS)
BE = 4000
WQ = 32
SPLITS = ((0, 192000), (192000, 128000))


def _mesh():
    return plsc.VectorSubcoreMesh(core_axis_name="c", subcore_axis_name="s")


def _idx3(ix):
    per_w = ix.shape[0] // NW
    return ix.reshape(NW, per_w // K, K)



@jax.jit
def _sc_gather(table, idx3):
    w = table.shape[1]
    iters = idx3.shape[1]
    per_w = iters * K
    ne = NW * per_w

    @functools.partial(
        pl.kernel,
        out_type=jax.ShapeDtypeStruct((ne, w), jnp.float32),
        mesh=_mesh(),
        scratch_types=[
            pltpu.VMEM((iters, K), jnp.int32),
            pltpu.VMEM((2, K, w), jnp.float32),
            pltpu.SemaphoreType.DMA,
            pltpu.SemaphoreType.DMA,
            pltpu.SemaphoreType.DMA,
            pltpu.SemaphoreType.DMA,
        ],
    )
    def k(table_hbm, idx_hbm, out_hbm, idx_v, rows_v, sem0, sem1, wsem0, wsem1):
        cid = lax.axis_index("c")
        sid = lax.axis_index("s")
        wid = sid * NC + cid
        base = wid * per_w
        sems = (sem0, sem1)
        wsems = (wsem0, wsem1)

        pltpu.sync_copy(idx_hbm.at[wid], idx_v)
        pltpu.async_copy(table_hbm.at[idx_v.at[0]], rows_v.at[0], sems[0])

        def pair(pp, _):
            for b in range(2):
                i = pp * 2 + b

                @pl.when(i < iters)
                def _():
                    nb = 1 - b

                    @pl.when(i + 1 < iters)
                    def _():
                        @pl.when(i >= 1)
                        def _():
                            pltpu.make_async_copy(
                                rows_v.at[nb], out_hbm.at[pl.ds(base, K)], wsems[nb]).wait()

                        pltpu.async_copy(table_hbm.at[idx_v.at[i + 1]], rows_v.at[nb], sems[nb])

                    pltpu.make_async_copy(table_hbm.at[idx_v.at[i]], rows_v.at[b], sems[b]).wait()
                    pltpu.async_copy(rows_v.at[b], out_hbm.at[pl.ds(base + i * K, K)], wsems[b])

            return 0

        lax.fori_loop(0, (iters + 1) // 2, pair, 0)
        pltpu.make_async_copy(rows_v.at[0], out_hbm.at[pl.ds(base, K)], wsems[0]).wait()
        pltpu.make_async_copy(rows_v.at[1], out_hbm.at[pl.ds(base, K)], wsems[1]).wait()

    return k(table, idx3)


@jax.jit
def _sc_scatter_add(rows, idx3, zchunk):
    w = rows.shape[1]
    iters = idx3.shape[1]
    per_w = iters * K

    @functools.partial(
        pl.kernel,
        out_type=jax.ShapeDtypeStruct((NC, NN, w), jnp.float32),
        mesh=_mesh(),
        scratch_types=[
            pltpu.VMEM((iters, K), jnp.int32),
            pltpu.VMEM((2, K, w), jnp.float32),
            pltpu.VMEM_SHARED((NN, w), jnp.float32),
            pltpu.SemaphoreType.DMA,
            pltpu.SemaphoreType.DMA,
        ],
    )
    def k(rows_hbm, idx_hbm, z_hbm, out_hbm, idx_v, rows_v, acc_sh, sem0, sem1):
        cid = lax.axis_index("c")
        sid = lax.axis_index("s")
        wid = sid * NC + cid
        base = wid * per_w
        sems = (sem0, sem1)
        pltpu.sync_copy(idx_hbm.at[wid], idx_v)

        def zero(kk, _):
            ch = sid * CPS + kk

            @pl.when(ch < NCH)
            def _():
                pltpu.sync_copy(z_hbm, acc_sh.at[pl.ds(ch * WB, WB)])

            return 0

        lax.fori_loop(0, CPS, zero, 0)
        plsc.subcore_barrier()

        pltpu.async_copy(rows_hbm.at[pl.ds(base, K)], rows_v.at[0], sems[0])

        def pair(pp, _):
            for b in range(2):
                i = pp * 2 + b

                @pl.when(i < iters)
                def _():
                    nb = 1 - b

                    @pl.when(i + 1 < iters)
                    def _():
                        noff = base + (i + 1) * K
                        pltpu.async_copy(rows_hbm.at[pl.ds(noff, K)], rows_v.at[nb], sems[nb])

                    pltpu.make_async_copy(
                        rows_hbm.at[pl.ds(base + i * K, K)], rows_v.at[b], sems[b]).wait()
                    pltpu.sync_copy(rows_v.at[b], acc_sh.at[idx_v.at[i]], add=True)

            return 0

        lax.fori_loop(0, (iters + 1) // 2, pair, 0)
        plsc.subcore_barrier()

        def wout(kk, _):
            ch = sid * CPS + kk

            @pl.when(ch < NCH)
            def _():
                r0 = ch * WB
                pltpu.sync_copy(acc_sh.at[pl.ds(r0, WB)], out_hbm.at[cid, pl.ds(r0, WB)])

            return 0

        lax.fori_loop(0, CPS, wout, 0)

    return k(rows, idx3, zchunk)


@jax.jit
def _sc_rel(q128, src3, dst3):
    iters = src3.shape[1]
    per_w = iters * K
    ne = NW * per_w

    @functools.partial(
        pl.kernel,
        out_type=jax.ShapeDtypeStruct((ne, WQ), jnp.float32),
        mesh=_mesh(),
        scratch_types=[
            pltpu.VMEM((iters, K), jnp.int32),
            pltpu.VMEM((iters, K), jnp.int32),
            pltpu.VMEM((2, K, H), jnp.float32),
            pltpu.VMEM((2, K, H), jnp.float32),
            pltpu.VMEM((2, K, WQ), jnp.float32),
            pltpu.SemaphoreType.DMA,
            pltpu.SemaphoreType.DMA,
            pltpu.SemaphoreType.DMA,
            pltpu.SemaphoreType.DMA,
            pltpu.SemaphoreType.DMA,
            pltpu.SemaphoreType.DMA,
        ],
    )
    def k(q_hbm, src_hbm, dst_hbm, out_hbm, ixs_v, ixd_v, qs_v, qd_v, qn_v,
          ss0, ss1, sd0, sd1, ws0, ws1):
        cid = lax.axis_index("c")
        sid = lax.axis_index("s")
        wid = sid * NC + cid
        base = wid * per_w
        ssems = (ss0, ss1)
        dsems = (sd0, sd1)
        wsems = (ws0, ws1)
        pltpu.sync_copy(src_hbm.at[wid], ixs_v)
        pltpu.sync_copy(dst_hbm.at[wid], ixd_v)

        def start(i, b):
            pltpu.async_copy(q_hbm.at[ixs_v.at[i]], qs_v.at[b], ssems[b])
            pltpu.async_copy(q_hbm.at[ixd_v.at[i]], qd_v.at[b], dsems[b])

        start(0, 0)

        def pair(pp, _):
            for b in range(2):
                i = pp * 2 + b

                @pl.when(i < iters)
                def _():
                    nb = 1 - b

                    @pl.when(i + 1 < iters)
                    def _():
                        @pl.when(i >= 1)
                        def _():
                            pltpu.make_async_copy(
                                qd_v.at[nb], out_hbm.at[pl.ds(base, K)], wsems[nb]).wait()

                        start(i + 1, nb)

                    pltpu.make_async_copy(q_hbm.at[ixs_v.at[i]], qs_v.at[b], ssems[b]).wait()
                    pltpu.make_async_copy(q_hbm.at[ixd_v.at[i]], qd_v.at[b], dsems[b]).wait()

                    def sub(r, _):
                        qn_v[b, r, pl.ds(0, 16)] = (qd_v[b, r, pl.ds(0, 16)]
                                                    - qs_v[b, r, pl.ds(0, 16)])
                        qn_v[b, r, pl.ds(16, 16)] = qd_v[b, r, pl.ds(16, 16)]
                        return 0

                    lax.fori_loop(0, K, sub, 0)
                    pltpu.async_copy(qn_v.at[b], out_hbm.at[pl.ds(base + i * K, K)], wsems[b])

            return 0

        lax.fori_loop(0, (iters + 1) // 2, pair, 0)
        pltpu.make_async_copy(qn_v.at[0], out_hbm.at[pl.ds(base, K)], wsems[0]).wait()
        pltpu.make_async_copy(qn_v.at[1], out_hbm.at[pl.ds(base, K)], wsems[1]).wait()

    return k(q128, src3, dst3)


@jax.jit
def _sc_scatter_pm(rows, src3, dst3, zchunk):
    iters = src3.shape[1]
    per_w = iters * K

    @functools.partial(
        pl.kernel,
        out_type=jax.ShapeDtypeStruct((NC, NN, H), jnp.float32),
        mesh=_mesh(),
        scratch_types=[
            pltpu.VMEM((iters, K), jnp.int32),
            pltpu.VMEM((2, K), jnp.int32),
            pltpu.VMEM((2, K, H), jnp.float32),
            pltpu.VMEM_SHARED((NN, H), jnp.float32),
            pltpu.SemaphoreType.DMA,
            pltpu.SemaphoreType.DMA,
        ],
    )
    def k(rows_hbm, src_hbm, dst_hbm, z_hbm, out_hbm, ixs_v, ixd_v, rows_v,
          acc_sh, sem0, sem1):
        cid = lax.axis_index("c")
        sid = lax.axis_index("s")
        wid = sid * NC + cid
        base = wid * per_w
        sems = (sem0, sem1)
        pltpu.sync_copy(src_hbm.at[wid], ixs_v)
        pltpu.sync_copy(dst_hbm.at[wid, 0], ixd_v.at[0])

        def zero(kk, _):
            ch = sid * CPS + kk

            @pl.when(ch < NCH)
            def _():
                pltpu.sync_copy(z_hbm, acc_sh.at[pl.ds(ch * WB, WB)])

            return 0

        lax.fori_loop(0, CPS, zero, 0)
        plsc.subcore_barrier()

        pltpu.async_copy(rows_hbm.at[pl.ds(base, K)], rows_v.at[0], sems[0])

        def pair(pp, _):
            for b in range(2):
                i = pp * 2 + b

                @pl.when(i < iters)
                def _():
                    nb = 1 - b

                    @pl.when(i + 1 < iters)
                    def _():
                        noff = base + (i + 1) * K
                        pltpu.async_copy(rows_hbm.at[pl.ds(noff, K)], rows_v.at[nb], sems[nb])
                        pltpu.sync_copy(dst_hbm.at[wid, i + 1], ixd_v.at[nb])

                    pltpu.make_async_copy(
                        rows_hbm.at[pl.ds(base + i * K, K)], rows_v.at[b], sems[b]).wait()
                    pltpu.sync_copy(rows_v.at[b], acc_sh.at[ixs_v.at[i]], add=True)

                    def neg(r, _):
                        rows_v[b, r, pl.ds(0, 16)] = -rows_v[b, r, pl.ds(0, 16)]
                        return 0

                    lax.fori_loop(0, K, neg, 0)
                    pltpu.sync_copy(rows_v.at[b], acc_sh.at[ixd_v.at[b]], add=True)

            return 0

        lax.fori_loop(0, (iters + 1) // 2, pair, 0)
        plsc.subcore_barrier()

        def wout(kk, _):
            ch = sid * CPS + kk

            @pl.when(ch < NCH)
            def _():
                r0 = ch * WB
                pltpu.sync_copy(acc_sh.at[pl.ds(r0, WB)], out_hbm.at[cid, pl.ds(r0, WB)])

            return 0

        lax.fori_loop(0, CPS, wout, 0)

    return k(rows, src3, dst3, zchunk)



def _sig(v):
    return jax.nn.sigmoid(v)


def _full(shape, dtype=jnp.float32):
    return jax.ShapeDtypeStruct(shape, dtype)


def _tc_prep(x, Wn, bn, A0):
    def body(x_r, wn_r, bn_r, a0_r, nf_r, nfa_r):
        nf = jnp.dot(x_r[...], wn_r[...], preferred_element_type=jnp.float32) + bn_r[...]
        nf_r[...] = nf
        nfa_r[...] = jnp.dot(nf, a0_r[...], preferred_element_type=jnp.float32)

    return pl.pallas_call(
        body, out_shape=[_full((NN, H)), _full((NN, H))])(x, Wn, bn.reshape(1, H), A0)


def _tc_dist(rel):
    ne = rel.shape[0]

    def body(rel_r, d_r):
        rel_ = rel_r[...]
        ssq = jnp.sum(rel_ * rel_, axis=-1, keepdims=True)
        d_r[...] = jnp.sqrt(ssq + 1e-8)

    espec = pl.BlockSpec((BE, WQ), lambda i: (i, 0))
    return pl.pallas_call(
        body, grid=(ne // BE,), in_specs=[espec],
        out_specs=pl.BlockSpec((BE, 1), lambda i: (i, 0)),
        out_shape=_full((ne, 1)))(rel)


def _tc_edge_fwd(ga, ea_full, dist, G, g0, c, off):
    ne = ga.shape[0]
    ob = off // BE

    def body(ga_r, ea_r, d_r, g_r, g0_r, c_r, msg_r, sigp_r):
        z = (ga_r[...]
             + jnp.dot(ea_r[...], g_r[...], preferred_element_type=jnp.float32)
             + g0_r[...] + d_r[...] * c_r[...])
        s = _sig(z)
        msg_r[...] = z * s
        sigp_r[...] = (s * (1.0 + z * (1.0 - s))).astype(jnp.bfloat16)

    espec = pl.BlockSpec((BE, H), lambda i: (i, 0))
    return pl.pallas_call(
        body, grid=(ne // BE,),
        in_specs=[espec,
                  pl.BlockSpec((BE, 16), lambda i: (i + ob, 0)),
                  pl.BlockSpec((BE, 1), lambda i: (i, 0)),
                  pl.BlockSpec((16, H), lambda i: (0, 0)),
                  pl.BlockSpec((1, H), lambda i: (0, 0)),
                  pl.BlockSpec((1, H), lambda i: (0, 0))],
        out_specs=[espec, espec],
        out_shape=[_full((ne, H)), _full((ne, H), jnp.bfloat16)],
    )(ga, ea_full, dist, G, g0.reshape(1, H), c.reshape(1, H))


def _tc_node_fwd(nf, agg_a, agg_b, WuA, WuB, A_next):
    def body(nf_r, agg_a_r, agg_b_r, wua_r, wub_r, an_r, yln_r, istd_r, dsu_r, nfa_r):
        nf_ = nf_r[...]
        agg = agg_a_r[0] + agg_a_r[1] + agg_b_r[0] + agg_b_r[1]
        u = (jnp.dot(nf_, wua_r[...], preferred_element_type=jnp.float32)
             + jnp.dot(agg, wub_r[...], preferred_element_type=jnp.float32))
        s = _sig(u)
        upd = u * s
        dsu_r[...] = s * (1.0 + u * (1.0 - s))
        r = nf_ + upd
        m = jnp.mean(r, axis=-1, keepdims=True)
        cen = r - m
        var = jnp.mean(cen * cen, axis=-1, keepdims=True)
        istd = jax.lax.rsqrt(var + 1e-5)
        istd_r[...] = istd
        yln = cen * istd
        yln_r[...] = yln
        nfa_r[...] = jnp.dot(yln, an_r[...], preferred_element_type=jnp.float32)

    return pl.pallas_call(
        body,
        out_shape=[_full((NN, H)), _full((NN, 1)), _full((NN, H)), _full((NN, H))],
    )(nf, agg_a, agg_b, WuA, WuB, A_next)


def _tc_head(nf4, Wo, bo, Wp1, bp1, wp2row, Wp1T, WoT):
    def body(nf_r, wo_r, bo_r, wp1_r, bp1_r, wp2_r, wp1t_r, wot_r, dnf_r):
        out = jnp.dot(nf_r[...], wo_r[...], preferred_element_type=jnp.float32) + bo_r[...]
        o1 = jnp.dot(out, wp1_r[...], preferred_element_type=jnp.float32) + bp1_r[...]
        s = _sig(o1)
        do1 = wp2_r[...] * (s * (1.0 + o1 * (1.0 - s)))
        dout = jnp.dot(do1, wp1t_r[...], preferred_element_type=jnp.float32)
        dnf_r[...] = jnp.dot(dout, wot_r[...], preferred_element_type=jnp.float32)

    return pl.pallas_call(body, out_shape=_full((NN, H)))(
        nf4, Wo, bo.reshape(1, -1), Wp1, bp1.reshape(1, -1), wp2row, Wp1T, WoT)


def _tc_node_bwd(dnf, yln, istd, dsu, WuAT, WuBT):
    def body(dnf_r, yln_r, istd_r, dsu_r, wuat_r, wubt_r, dres_r, dagg_r):
        dnf_ = dnf_r[...]
        yln = yln_r[...]
        dr = istd_r[...] * (
            dnf_ - jnp.mean(dnf_, axis=-1, keepdims=True)
            - yln * jnp.mean(dnf_ * yln, axis=-1, keepdims=True))
        du = dr * dsu_r[...]
        dres_r[...] = dr + jnp.dot(du, wuat_r[...], preferred_element_type=jnp.float32)
        dagg_r[...] = jnp.dot(du, wubt_r[...], preferred_element_type=jnp.float32)

    return pl.pallas_call(
        body, out_shape=[_full((NN, H)), _full((NN, H))])(dnf, yln, istd, dsu, WuAT, WuBT)


def _tc_edge_bwd(gd, sigp, c, ddist_in):
    ne = gd.shape[0]

    def body(gd_r, sigp_r, c_r, di_r, dz_r, do_r):
        dz = gd_r[...] * sigp_r[...].astype(jnp.float32)
        dz_r[...] = dz
        do_r[...] = di_r[...] + jnp.sum(dz * c_r[...], axis=-1, keepdims=True)

    espec = pl.BlockSpec((BE, H), lambda i: (i, 0))
    dspec = pl.BlockSpec((BE, 1), lambda i: (i, 0))
    return pl.pallas_call(
        body, grid=(ne // BE,),
        in_specs=[espec, espec, pl.BlockSpec((1, H), lambda i: (0, 0)), dspec],
        out_specs=[espec, dspec],
        out_shape=[_full((ne, H)), _full((ne, 1))],
    )(gd, sigp, c.reshape(1, H), ddist_in)


def _tc_merge(dres, dnfa_a, dnfa_b, AT):
    def body(dres_r, dnfa_a_r, dnfa_b_r, at_r, dnf_r):
        dnfa = dnfa_a_r[0] + dnfa_a_r[1] + dnfa_b_r[0] + dnfa_b_r[1]
        dnf_r[...] = dres_r[...] + jnp.dot(dnfa, at_r[...], preferred_element_type=jnp.float32)

    return pl.pallas_call(body, out_shape=_full((NN, H)))(dres, dnfa_a, dnfa_b, AT)


def _tc_final_edge(rel, ddist):
    ne = rel.shape[0]

    def body(rel_r, dd_r, drel_r):
        rel_ = rel_r[...]
        ssq = jnp.sum(rel_ * rel_, axis=-1, keepdims=True)
        dist = jnp.sqrt(ssq + 1e-8)
        dr = (dd_r[...] / dist) * rel_
        drel_r[...] = jnp.concatenate(
            [dr, jnp.zeros((dr.shape[0], H - WQ), jnp.float32)], axis=1)

    espec = pl.BlockSpec((BE, WQ), lambda i: (i, 0))
    ospec = pl.BlockSpec((BE, H), lambda i: (i, 0))
    return pl.pallas_call(
        body, grid=(ne // BE,),
        in_specs=[espec, pl.BlockSpec((BE, 1), lambda i: (i, 0))],
        out_specs=ospec, out_shape=_full((ne, H)))(rel, ddist)


def _tc_finish(spm_a, spm_b):
    def body(sa_r, sb_r, o_r):
        o_r[...] = sa_r[0] + sa_r[1] + sb_r[0] + sb_r[1]

    return pl.pallas_call(body, out_shape=_full((NN, H)))(spm_a, spm_b)



def kernel(t, y, x, edge_index, edge_attr, Wn, bn, We, be, Wm, Wu, Wo, bo,
           Wp1, bp1, Wp2, bp2):
    src = edge_index[0].astype(jnp.int32)
    dst = edge_index[1].astype(jnp.int32)
    src3 = [_idx3(src[o:o + n]) for o, n in SPLITS]
    dst3 = [_idx3(dst[o:o + n]) for o, n in SPLITS]
    q = y[:, :3]
    p = y[:, 3:]
    q128 = jnp.pad(q, ((0, 0), (0, H - 3)))

    A = [Wm[l][:H] for l in range(LL)]
    G = [jnp.concatenate([Wm[l][H:H + 3], We @ Wm[l][H + 3:2 * H]], axis=0)
         for l in range(LL)]
    g0 = [be @ Wm[l][H + 3:2 * H] for l in range(LL)]
    c = [Wm[l][2 * H] for l in range(LL)]
    WuA = [Wu[l][:H] for l in range(LL)]
    WuB = [Wu[l][H:] for l in range(LL)]
    wp2row = jnp.broadcast_to(Wp2[:, 0], (1, Wp2.shape[0]))
    z128 = jnp.zeros((WB, H), jnp.float32)

    rel = [_sc_rel(q128, src3[h], dst3[h]) for h in range(2)]
    dist = [_tc_dist(rel[h]) for h in range(2)]

    nf, nfa = _tc_prep(x, Wn, bn, A[0])
    saves = []
    for l in range(LL):
        ga = [_sc_gather(nfa, src3[h]) for h in range(2)]
        ms = [_tc_edge_fwd(ga[h], edge_attr, dist[h], G[l], g0[l], c[l],
                           SPLITS[h][0]) for h in range(2)]
        agg = [_sc_scatter_add(ms[h][0], dst3[h], z128) for h in range(2)]
        A_next = A[l + 1] if l + 1 < LL else A[0]
        yln, istd, dsu, nfa = _tc_node_fwd(nf, agg[0], agg[1], WuA[l], WuB[l], A_next)
        saves.append((yln, istd, dsu, (ms[0][1], ms[1][1])))
        nf = yln

    dnf = _tc_head(nf, Wo, bo, Wp1, bp1, wp2row, Wp1.T, Wo.T)
    ddist = [jnp.zeros((n, 1), jnp.float32) for _, n in SPLITS]
    for l in reversed(range(LL)):
        yln, istd, dsu, sigp = saves[l]
        dres, dagg = _tc_node_bwd(dnf, yln, istd, dsu, WuA[l].T, WuB[l].T)
        gd = [_sc_gather(dagg, dst3[h]) for h in range(2)]
        dzd = [_tc_edge_bwd(gd[h], sigp[h], c[l], ddist[h]) for h in range(2)]
        ddist = [dzd[h][1] for h in range(2)]
        if l > 0:
            dnfa = [_sc_scatter_add(dzd[h][0], src3[h], z128) for h in range(2)]
            dnf = _tc_merge(dres, dnfa[0], dnfa[1], A[l].T)

    drel = [_tc_final_edge(rel[h], ddist[h]) for h in range(2)]
    spm = [_sc_scatter_pm(drel[h], src3[h], dst3[h], z128) for h in range(2)]
    gqneg = _tc_finish(spm[0], spm[1])
    return jnp.concatenate([p, gqneg[:, :3]], axis=-1)

# --- scband reference (transcript-rebuilt; emitter-appended) ---
"""Pipeline reference for scband-hamiltonian-sde-39109972197642 (READ-ONLY COPY).

The authoritative reference and input builder live on the scoring server;
editing this copy changes nothing except your own understanding.
"""

import jax, jax.numpy as jnp
import numpy as np

N = 10000
E = 320000
DF = 128
DE = 16
H = 128
OUT = 64
L = 4


def silu(v):
    return v * jax.nn.sigmoid(v)


def ln(v):
    m = v.mean(-1, keepdims=True)
    s = v.var(-1, keepdims=True)
    return (v - m) / jnp.sqrt(s + 1e-5)


def setup_inputs(seed: int = 0) -> dict:
    key = jax.random.key(seed)
    ks = jax.random.split(key, 16)
    sc = 0.05
    x = jax.random.normal(ks[0], (N, DF), dtype=jnp.float32)
    edge_index = jax.random.randint(ks[1], (2, E), 0, N, dtype=jnp.int64)
    edge_attr = jax.random.normal(ks[2], (E, DE), dtype=jnp.float32)
    y = jax.random.normal(ks[3], (N, 6), dtype=jnp.float32)
    Wn = jax.random.normal(ks[4], (DF, H), dtype=jnp.float32) * sc
    bn = jnp.zeros((H,), jnp.float32)
    We = jax.random.normal(ks[5], (DE - 3, H - 3), dtype=jnp.float32) * sc
    be = jnp.zeros((H - 3,), jnp.float32)
    Wm = jax.random.normal(ks[6], (L, 2 * H + 1, H), dtype=jnp.float32) * sc
    Wu = jax.random.normal(ks[7], (L, 2 * H, H), dtype=jnp.float32) * sc
    Wo = jax.random.normal(ks[8], (H, OUT), dtype=jnp.float32) * sc
    bo = jnp.zeros((OUT,), jnp.float32)
    Wp1 = jax.random.normal(ks[9], (OUT, OUT // 2), dtype=jnp.float32) * sc
    bp1 = jnp.zeros((OUT // 2,), jnp.float32)
    Wp2 = jax.random.normal(ks[10], (OUT // 2, 1), dtype=jnp.float32) * sc
    bp2 = jnp.zeros((1,), jnp.float32)
    return {"t": 0, "y": y, "x": x, "edge_index": edge_index, "edge_attr": edge_attr,
            "Wn": Wn, "bn": bn, "We": We, "be": be, "Wm": Wm, "Wu": Wu,
            "Wo": Wo, "bo": bo, "Wp1": Wp1, "bp1": bp1, "Wp2": Wp2, "bp2": bp2}


def reference(t, y, x, edge_index, edge_attr, Wn, bn, We, be, Wm, Wu, Wo, bo, Wp1, bp1, Wp2, bp2):
    # HamiltonianSDE.f(t, y): drift = (dH/dp, -dH/dq) with H = potential(SNN(q)) + 0.5*|p|^2
    src = edge_index[0]
    dst = edge_index[1]

    def hamiltonian(y_):
        q, p = jnp.split(y_, 2, axis=-1)  # q: positions [N,3]
        # SNN embeddings
        nf = x @ Wn + bn
        ev = edge_attr[:, :3]
        es = edge_attr[:, 3:]
        ef = jnp.concatenate([ev, es @ We + be], axis=-1)  # [E, H]
        rel = q[dst] - q[src]
        dist = jnp.sqrt(jnp.sum(rel * rel, axis=-1, keepdims=True) + 1e-8)
        # position-aware simplex message passing layers (gather + scatter-add)
        for l in range(L):
            msg_in = jnp.concatenate([nf[src], ef, dist], axis=-1)
            msg = silu(msg_in @ Wm[l])
            agg = jax.ops.segment_sum(msg, dst, num_segments=N)
            upd = silu(jnp.concatenate([nf, agg], axis=-1) @ Wu[l])
            nf = ln(nf + upd)
        final_node_features = nf @ Wo + bo  # [N, OUT]
        # faithful to the original unpacking bug: potential_head is applied to
        # final_node_features (first returned value of SNN.forward)
        h1 = silu(final_node_features @ Wp1 + bp1)
        potential = jnp.sum(h1 @ Wp2 + bp2)
        kinetic = 0.5 * jnp.sum(p * p)
        return potential + kinetic

    grad_h = jax.grad(hamiltonian)(y)
    gq, gp = jnp.split(grad_h, 2, axis=-1)
    return jnp.concatenate([gp, -gq], axis=-1)

if __name__ == "__main__":
    import jax
    _d = setup_inputs()
    print(jax.jit(kernel)(*tuple(_d.values())))

</pallas_src>

<mosaic_0001>
#map = affine_map<(d0, d1) -> (0, 0)>
#map1 = affine_map<(d0, d1) -> (0, 0, 0)>
module attributes {stable_mosaic.version = 14 : i64} {
  func.func @k(%arg0: i32, %arg1: i32, %arg2: memref<10000x128xf32, #tpu.memory_space<hbm>>, %arg3: memref<32x75x80xi32, #tpu.memory_space<hbm>>, %arg4: memref<32x75x80xi32, #tpu.memory_space<hbm>>, %arg5: memref<192000x32xf32, #tpu.memory_space<hbm>>, %arg6: memref<75x80xi32, #tpu.memory_space<vmem>>, %arg7: memref<75x80xi32, #tpu.memory_space<vmem>>, %arg8: memref<2x80x128xf32, #tpu.memory_space<vmem>>, %arg9: memref<2x80x128xf32, #tpu.memory_space<vmem>>, %arg10: memref<2x80x32xf32, #tpu.memory_space<vmem>>, %arg11: memref<!tpu.dma_semaphore, #tpu.memory_space<semaphore_mem>>, %arg12: memref<!tpu.dma_semaphore, #tpu.memory_space<semaphore_mem>>, %arg13: memref<!tpu.dma_semaphore, #tpu.memory_space<semaphore_mem>>, %arg14: memref<!tpu.dma_semaphore, #tpu.memory_space<semaphore_mem>>, %arg15: memref<!tpu.dma_semaphore, #tpu.memory_space<semaphore_mem>>, %arg16: memref<!tpu.dma_semaphore, #tpu.memory_space<semaphore_mem>>) attributes {dimension_semantics = [#tpu.dimension_semantics<core_parallel>, #tpu.dimension_semantics<subcore_parallel>], iteration_bounds = array<i64: 2, 16>, scalar_prefetch = 0 : i64, scratch_operands = 11 : i64, tpu.core_type = #tpu.core_type<sc_vector_subcore>, window_params = [{transform_indices = #map}, {transform_indices = #map1}, {transform_indices = #map1}, {transform_indices = #map}]} {
    %mul3A = arith.constant 2 : i32
    %mul3A_0 = arith.muli %arg1, %mul3A : i32
    %add3A = arith.addi %mul3A_0, %arg0 : i32
    %mul3A_1 = arith.constant 6000 : i32
    %mul3A_2 = arith.muli %add3A, %mul3A_1 : i32
    "tpu.region"() ({
      %run_scoped3A = tpu.sem_alloc : memref<!tpu.dma_semaphore, #tpu.memory_space<semaphore_mem>>
      %dma_start3A_57 = arith.constant 0 : i32
      %dma_start3A_58 = arith.constant 0 : i32
      %dma_start3A_59 = tpu.memref_slice %arg3[%add3A, %dma_start3A_57, %dma_start3A_58] : memref<32x75x80xi32, #tpu.memory_space<hbm>> -> memref<1x75x80xi32, #tpu.memory_space<hbm>>
      %dma_start3A_60 = tpu.memref_squeeze %dma_start3A_59 : memref<1x75x80xi32, #tpu.memory_space<hbm>> -> memref<75x80xi32, #tpu.memory_space<hbm>>
      %dma_start3A_61 = arith.constant 0 : i32
      %dma_start3A_62 = arith.constant 0 : i32
      %dma_start3A_63 = tpu.memref_slice %arg3[%add3A, %dma_start3A_61, %dma_start3A_62] : memref<32x75x80xi32, #tpu.memory_space<hbm>> -> memref<1x75x80xi32, #tpu.memory_space<hbm>>
      %dma_start3A_64 = tpu.memref_squeeze %dma_start3A_63 : memref<1x75x80xi32, #tpu.memory_space<hbm>> -> memref<75x80xi32, #tpu.memory_space<hbm>>
      tpu.enqueue_dma source(%dma_start3A_64 : memref<75x80xi32, #tpu.memory_space<hbm>>) target(%arg6 : memref<75x80xi32, #tpu.memory_space<vmem>>) target_semaphore(%run_scoped3A : memref<!tpu.dma_semaphore, #tpu.memory_space<semaphore_mem>>)
      %dma_wait3A_65 = arith.constant 0 : i32
      %dma_wait3A_66 = arith.constant 0 : i32
      %dma_wait3A_67 = tpu.memref_slice %arg3[%add3A, %dma_wait3A_65, %dma_wait3A_66] : memref<32x75x80xi32, #tpu.memory_space<hbm>> -> memref<1x75x80xi32, #tpu.memory_space<hbm>>
      %dma_wait3A_68 = tpu.memref_squeeze %dma_wait3A_67 : memref<1x75x80xi32, #tpu.memory_space<hbm>> -> memref<75x80xi32, #tpu.memory_space<hbm>>
      %dma_wait3A_69 = arith.constant 0 : i32
      %dma_wait3A_70 = arith.constant 0 : i32
      %dma_wait3A_71 = tpu.memref_slice %arg3[%add3A, %dma_wait3A_69, %dma_wait3A_70] : memref<32x75x80xi32, #tpu.memory_space<hbm>> -> memref<1x75x80xi32, #tpu.memory_space<hbm>>
      %dma_wait3A_72 = tpu.memref_squeeze %dma_wait3A_71 : memref<1x75x80xi32, #tpu.memory_space<hbm>> -> memref<75x80xi32, #tpu.memory_space<hbm>>
      tpu.wait_dma2 semaphore(%run_scoped3A : memref<!tpu.dma_semaphore, #tpu.memory_space<semaphore_mem>>) src(%dma_wait3A_72 : memref<75x80xi32, #tpu.memory_space<hbm>>) dst(%arg6 : memref<75x80xi32, #tpu.memory_space<vmem>>)
      tpu.yield
    }) : () -> ()
    "tpu.region"() ({
      %run_scoped3A = tpu.sem_alloc : memref<!tpu.dma_semaphore, #tpu.memory_space<semaphore_mem>>
      %dma_start3A_57 = arith.constant 0 : i32
      %dma_start3A_58 = arith.constant 0 : i32
      %dma_start3A_59 = tpu.memref_slice %arg4[%add3A, %dma_start3A_57, %dma_start3A_58] : memref<32x75x80xi32, #tpu.memory_space<hbm>> -> memref<1x75x80xi32, #tpu.memory_space<hbm>>
      %dma_start3A_60 = tpu.memref_squeeze %dma_start3A_59 : memref<1x75x80xi32, #tpu.memory_space<hbm>> -> memref<75x80xi32, #tpu.memory_space<hbm>>
      %dma_start3A_61 = arith.constant 0 : i32
      %dma_start3A_62 = arith.constant 0 : i32
      %dma_start3A_63 = tpu.memref_slice %arg4[%add3A, %dma_start3A_61, %dma_start3A_62] : memref<32x75x80xi32, #tpu.memory_space<hbm>> -> memref<1x75x80xi32, #tpu.memory_space<hbm>>
      %dma_start3A_64 = tpu.memref_squeeze %dma_start3A_63 : memref<1x75x80xi32, #tpu.memory_space<hbm>> -> memref<75x80xi32, #tpu.memory_space<hbm>>
      tpu.enqueue_dma source(%dma_start3A_64 : memref<75x80xi32, #tpu.memory_space<hbm>>) target(%arg7 : memref<75x80xi32, #tpu.memory_space<vmem>>) target_semaphore(%run_scoped3A : memref<!tpu.dma_semaphore, #tpu.memory_space<semaphore_mem>>)
      %dma_wait3A_65 = arith.constant 0 : i32
      %dma_wait3A_66 = arith.constant 0 : i32
      %dma_wait3A_67 = tpu.memref_slice %arg4[%add3A, %dma_wait3A_65, %dma_wait3A_66] : memref<32x75x80xi32, #tpu.memory_space<hbm>> -> memref<1x75x80xi32, #tpu.memory_space<hbm>>
      %dma_wait3A_68 = tpu.memref_squeeze %dma_wait3A_67 : memref<1x75x80xi32, #tpu.memory_space<hbm>> -> memref<75x80xi32, #tpu.memory_space<hbm>>
      %dma_wait3A_69 = arith.constant 0 : i32
      %dma_wait3A_70 = arith.constant 0 : i32
      %dma_wait3A_71 = tpu.memref_slice %arg4[%add3A, %dma_wait3A_69, %dma_wait3A_70] : memref<32x75x80xi32, #tpu.memory_space<hbm>> -> memref<1x75x80xi32, #tpu.memory_space<hbm>>
      %dma_wait3A_72 = tpu.memref_squeeze %dma_wait3A_71 : memref<1x75x80xi32, #tpu.memory_space<hbm>> -> memref<75x80xi32, #tpu.memory_space<hbm>>
      tpu.wait_dma2 semaphore(%run_scoped3A : memref<!tpu.dma_semaphore, #tpu.memory_space<semaphore_mem>>) src(%dma_wait3A_72 : memref<75x80xi32, #tpu.memory_space<hbm>>) dst(%arg7 : memref<75x80xi32, #tpu.memory_space<vmem>>)
      tpu.yield
    }) : () -> ()
    %dma_start3A = arith.constant 0 : i32
    %dma_start3A_3 = arith.constant 0 : i32
    %dma_start3A_4 = arith.constant 0 : i32
    %dma_start3A_5 = arith.constant 0 : i32
    %dma_start3A_6 = tpu.memref_slice %arg8[%dma_start3A_3, %dma_start3A_4, %dma_start3A_5] : memref<2x80x128xf32, #tpu.memory_space<vmem>> -> memref<1x80x128xf32, #tpu.memory_space<vmem>>
    %dma_start3A_7 = tpu.memref_squeeze %dma_start3A_6 : memref<1x80x128xf32, #tpu.memory_space<vmem>> -> memref<80x128xf32, #tpu.memory_space<vmem>>
    %dma_start3A_8 = arith.constant 0 : i32
    %dma_start3A_9 = tpu.memref_slice %arg6[%dma_start3A, %dma_start3A_8] : memref<75x80xi32, #tpu.memory_space<vmem>> -> memref<1x80xi32, #tpu.memory_space<vmem>>
    %dma_start3A_10 = tpu.memref_squeeze %dma_start3A_9 : memref<1x80xi32, #tpu.memory_space<vmem>> -> memref<80xi32, #tpu.memory_space<vmem>>
    %dma_start3A_11 = arith.constant 0 : i32
    %dma_start3A_12 = arith.constant 0 : i32
    %dma_start3A_13 = tpu.memref_slice %arg2[%dma_start3A_11, %dma_start3A_12] : memref<10000x128xf32, #tpu.memory_space<hbm>> -> memref<10000x128xf32, #tpu.memory_space<hbm>>
    tpu.enqueue_indirect_dma source(%dma_start3A_13 : memref<10000x128xf32, #tpu.memory_space<hbm>>) target(%dma_start3A_7 : memref<80x128xf32, #tpu.memory_space<vmem>>) offsets(%dma_start3A_10 : memref<80xi32, #tpu.memory_space<vmem>>) semaphore(%arg11 : memref<!tpu.dma_semaphore, #tpu.memory_space<semaphore_mem>>)
    %dma_start3A_14 = arith.constant 0 : i32
    %dma_start3A_15 = arith.constant 0 : i32
    %dma_start3A_16 = arith.constant 0 : i32
    %dma_start3A_17 = arith.constant 0 : i32
    %dma_start3A_18 = tpu.memref_slice %arg9[%dma_start3A_15, %dma_start3A_16, %dma_start3A_17] : memref<2x80x128xf32, #tpu.memory_space<vmem>> -> memref<1x80x128xf32, #tpu.memory_space<vmem>>
    %dma_start3A_19 = tpu.memref_squeeze %dma_start3A_18 : memref<1x80x128xf32, #tpu.memory_space<vmem>> -> memref<80x128xf32, #tpu.memory_space<vmem>>
    %dma_start3A_20 = arith.constant 0 : i32
    %dma_start3A_21 = tpu.memref_slice %arg7[%dma_start3A_14, %dma_start3A_20] : memref<75x80xi32, #tpu.memory_space<vmem>> -> memref<1x80xi32, #tpu.memory_space<vmem>>
    %dma_start3A_22 = tpu.memref_squeeze %dma_start3A_21 : memref<1x80xi32, #tpu.memory_space<vmem>> -> memref<80xi32, #tpu.memory_space<vmem>>
    %dma_start3A_23 = arith.constant 0 : i32
    %dma_start3A_24 = arith.constant 0 : i32
    %dma_start3A_25 = tpu.memref_slice %arg2[%dma_start3A_23, %dma_start3A_24] : memref<10000x128xf32, #tpu.memory_space<hbm>> -> memref<10000x128xf32, #tpu.memory_space<hbm>>
    tpu.enqueue_indirect_dma source(%dma_start3A_25 : memref<10000x128xf32, #tpu.memory_space<hbm>>) target(%dma_start3A_19 : memref<80x128xf32, #tpu.memory_space<vmem>>) offsets(%dma_start3A_22 : memref<80xi32, #tpu.memory_space<vmem>>) semaphore(%arg13 : memref<!tpu.dma_semaphore, #tpu.memory_space<semaphore_mem>>)
    %scan3A = arith.constant 0 : i32
    %scan3A_26 = arith.constant 0 : i32
    %scan3A_27 = arith.constant 38 : i32
    %scan3A_28 = arith.addi %scan3A_26, %scan3A_27 : i32
    %scan3A_29 = arith.constant 1 : i32
    %scan3A_30 = scf.for %scan3A_57 = %scan3A_26 to %scan3A_28 step %scan3A_29 iter_args(%scan3A_58 = %scan3A) -> (i32)  : i32 {
      %mul3A_59 = arith.constant 2 : i32
      %mul3A_60 = arith.muli %scan3A_57, %mul3A_59 : i32
      %add3A_61 = arith.constant 0 : i32
      %add3A_62 = arith.addi %mul3A_60, %add3A_61 : i32
      %lt3A = arith.constant 75 : i32
      %lt3A_63 = arith.cmpi slt, %add3A_62, %lt3A : i32
      %convert_element_type3A = arith.extui %lt3A_63 : i1 to i32
      %cond3A = arith.constant 0 : i32
      %cond3A_64 = arith.cmpi ne, %convert_element_type3A, %cond3A : i32
      scf.if %cond3A_64 {
        %add3A_75 = arith.constant 1 : i32
        %add3A_76 = arith.addi %add3A_62, %add3A_75 : i32
        %lt3A_77 = arith.constant 75 : i32
        %lt3A_78 = arith.cmpi slt, %add3A_76, %lt3A_77 : i32
        %convert_element_type3A_79 = arith.extui %lt3A_78 : i1 to i32
        %cond3A_80 = arith.constant 0 : i32
        %cond3A_81 = arith.cmpi ne, %convert_element_type3A_79, %cond3A_80 : i32
        scf.if %cond3A_81 {
          %ge3A = arith.constant 1 : i32
          %ge3A_127 = arith.cmpi sge, %add3A_62, %ge3A : i32
          %convert_element_type3A_128 = arith.extui %ge3A_127 : i1 to i32
          %cond3A_129 = arith.constant 0 : i32
          %cond3A_130 = arith.cmpi ne, %convert_element_type3A_128, %cond3A_129 : i32
          scf.if %cond3A_130 {
            %dma_wait3A_155 = arith.constant 1 : i32
            %dma_wait3A_156 = arith.constant 0 : i32
            %dma_wait3A_157 = arith.constant 0 : i32
            %dma_wait3A_158 = tpu.memref_slice %arg9[%dma_wait3A_155, %dma_wait3A_156, %dma_wait3A_157] : memref<2x80x128xf32, #tpu.memory_space<vmem>> -> memref<1x80x128xf32, #tpu.memory_space<vmem>>
            %dma_wait3A_159 = tpu.memref_squeeze %dma_wait3A_158 : memref<1x80x128xf32, #tpu.memory_space<vmem>> -> memref<80x128xf32, #tpu.memory_space<vmem>>
            %dma_wait3A_160 = arith.constant 0 : i32
            %dma_wait3A_161 = tpu.memref_slice %arg5[%mul3A_2, %dma_wait3A_160] : memref<192000x32xf32, #tpu.memory_space<hbm>> -> memref<80x32xf32, #tpu.memory_space<hbm>>
            %dma_wait3A_162 = arith.constant 0 : i32
            %dma_wait3A_163 = tpu.memref_slice %arg5[%mul3A_2, %dma_wait3A_162] : memref<192000x32xf32, #tpu.memory_space<hbm>> -> memref<80x32xf32, #tpu.memory_space<hbm>>
            %dma_wait3A_164 = arith.constant 0 : i32
            %dma_wait3A_165 = arith.constant 0 : i32
            %dma_wait3A_166 = tpu.memref_slice %arg9[%dma_wait3A_155, %dma_wait3A_164, %dma_wait3A_165] : memref<2x80x128xf32, #tpu.memory_space<vmem>> -> memref<1x80x128xf32, #tpu.memory_space<vmem>>
            %dma_wait3A_167 = tpu.memref_squeeze %dma_wait3A_166 : memref<1x80x128xf32, #tpu.memory_space<vmem>> -> memref<80x128xf32, #tpu.memory_space<vmem>>
            tpu.wait_dma2 semaphore(%arg16 : memref<!tpu.dma_semaphore, #tpu.memory_space<semaphore_mem>>) src(%dma_wait3A_167 : memref<80x128xf32, #tpu.memory_space<vmem>>) dst(%dma_wait3A_163 : memref<80x32xf32, #tpu.memory_space<hbm>>)
          } else {
          }
          %add3A_131 = arith.constant 1 : i32
          %add3A_132 = arith.addi %add3A_62, %add3A_131 : i32
          %dma_start3A_133 = arith.constant 1 : i32
          %dma_start3A_134 = arith.constant 0 : i32
          %dma_start3A_135 = arith.constant 0 : i32
          %dma_start3A_136 = tpu.memref_slice %arg8[%dma_start3A_133, %dma_start3A_134, %dma_start3A_135] : memref<2x80x128xf32, #tpu.memory_space<vmem>> -> memref<1x80x128xf32, #tpu.memory_space<vmem>>
          %dma_start3A_137 = tpu.memref_squeeze %dma_start3A_136 : memref<1x80x128xf32, #tpu.memory_space<vmem>> -> memref<80x128xf32, #tpu.memory_space<vmem>>
          %dma_start3A_138 = arith.constant 0 : i32
          %dma_start3A_139 = tpu.memref_slice %arg6[%add3A_132, %dma_start3A_138] : memref<75x80xi32, #tpu.memory_space<vmem>> -> memref<1x80xi32, #tpu.memory_space<vmem>>
          %dma_start3A_140 = tpu.memref_squeeze %dma_start3A_139 : memref<1x80xi32, #tpu.memory_space<vmem>> -> memref<80xi32, #tpu.memory_space<vmem>>
          %dma_start3A_141 = arith.constant 0 : i32
          %dma_start3A_142 = arith.constant 0 : i32
          %dma_start3A_143 = tpu.memref_slice %arg2[%dma_start3A_141, %dma_start3A_142] : memref<10000x128xf32, #tpu.memory_space<hbm>> -> memref<10000x128xf32, #tpu.memory_space<hbm>>
          tpu.enqueue_indirect_dma source(%dma_start3A_143 : memref<10000x128xf32, #tpu.memory_space<hbm>>) target(%dma_start3A_137 : memref<80x128xf32, #tpu.memory_space<vmem>>) offsets(%dma_start3A_140 : memref<80xi32, #tpu.memory_space<vmem>>) semaphore(%arg12 : memref<!tpu.dma_semaphore, #tpu.memory_space<semaphore_mem>>)
          %dma_start3A_144 = arith.constant 1 : i32
          %dma_start3A_145 = arith.constant 0 : i32
          %dma_start3A_146 = arith.constant 0 : i32
          %dma_start3A_147 = tpu.memref_slice %arg9[%dma_start3A_144, %dma_start3A_145, %dma_start3A_146] : memref<2x80x128xf32, #tpu.memory_space<vmem>> -> memref<1x80x128xf32, #tpu.memory_space<vmem>>
          %dma_start3A_148 = tpu.memref_squeeze %dma_start3A_147 : memref<1x80x128xf32, #tpu.memory_space<vmem>> -> memref<80x128xf32, #tpu.memory_space<vmem>>
          %dma_start3A_149 = arith.constant 0 : i32
          %dma_start3A_150 = tpu.memref_slice %arg7[%add3A_132, %dma_start3A_149] : memref<75x80xi32, #tpu.memory_space<vmem>> -> memref<1x80xi32, #tpu.memory_space<vmem>>
          %dma_start3A_151 = tpu.memref_squeeze %dma_start3A_150 : memref<1x80xi32, #tpu.memory_space<vmem>> -> memref<80xi32, #tpu.memory_space<vmem>>
          %dma_start3A_152 = arith.constant 0 : i32
          %dma_start3A_153 = arith.constant 0 : i32
          %dma_start3A_154 = tpu.memref_slice %arg2[%dma_start3A_152, %dma_start3A_153] : memref<10000x128xf32, #tpu.memory_space<hbm>> -> memref<10000x128xf32, #tpu.memory_space<hbm>>
          tpu.enqueue_indirect_dma source(%dma_start3A_154 : memref<10000x128xf32, #tpu.memory_space<hbm>>) target(%dma_start3A_148 : memref<80x128xf32, #tpu.memory_space<vmem>>) offsets(%dma_start3A_151 : memref<80xi32, #tpu.memory_space<vmem>>) semaphore(%arg14 : memref<!tpu.dma_semaphore, #tpu.memory_space<semaphore_mem>>)
        } else {
        }
        %dma_wait3A_82 = arith.constant 0 : i32
        %dma_wait3A_83 = arith.constant 0 : i32
        %dma_wait3A_84 = arith.constant 0 : i32
        %dma_wait3A_85 = tpu.memref_slice %arg8[%dma_wait3A_82, %dma_wait3A_83, %dma_wait3A_84] : memref<2x80x128xf32, #tpu.memory_space<vmem>> -> memref<1x80x128xf32, #tpu.memory_space<vmem>>
        %dma_wait3A_86 = tpu.memref_squeeze %dma_wait3A_85 : memref<1x80x128xf32, #tpu.memory_space<vmem>> -> memref<80x128xf32, #tpu.memory_space<vmem>>
        %dma_wait3A_87 = arith.constant 0 : i32
        %dma_wait3A_88 = tpu.memref_slice %arg6[%add3A_62, %dma_wait3A_87] : memref<75x80xi32, #tpu.memory_space<vmem>> -> memref<1x80xi32, #tpu.memory_space<vmem>>
        %dma_wait3A_89 = tpu.memref_squeeze %dma_wait3A_88 : memref<1x80xi32, #tpu.memory_space<vmem>> -> memref<80xi32, #tpu.memory_space<vmem>>
        %dma_wait3A_90 = arith.constant 0 : i32
        %dma_wait3A_91 = arith.constant 0 : i32
        %dma_wait3A_92 = tpu.memref_slice %arg2[%dma_wait3A_90, %dma_wait3A_91] : memref<10000x128xf32, #tpu.memory_space<hbm>> -> memref<10000x128xf32, #tpu.memory_space<hbm>>
        tpu.wait_indirect_dma semaphore(%arg11 : memref<!tpu.dma_semaphore, #tpu.memory_space<semaphore_mem>>) src(%dma_wait3A_92 : memref<10000x128xf32, #tpu.memory_space<hbm>>) dst(%dma_wait3A_86 : memref<80x128xf32, #tpu.memory_space<vmem>>)
        %dma_wait3A_93 = arith.constant 0 : i32
        %dma_wait3A_94 = arith.constant 0 : i32
        %dma_wait3A_95 = arith.constant 0 : i32
        %dma_wait3A_96 = tpu.memref_slice %arg9[%dma_wait3A_93, %dma_wait3A_94, %dma_wait3A_95] : memref<2x80x128xf32, #tpu.memory_space<vmem>> -> memref<1x80x128xf32, #tpu.memory_space<vmem>>
        %dma_wait3A_97 = tpu.memref_squeeze %dma_wait3A_96 : memref<1x80x128xf32, #tpu.memory_space<vmem>> -> memref<80x128xf32, #tpu.memory_space<vmem>>
        %dma_wait3A_98 = arith.constant 0 : i32
        %dma_wait3A_99 = tpu.memref_slice %arg7[%add3A_62, %dma_wait3A_98] : memref<75x80xi32, #tpu.memory_space<vmem>> -> memref<1x80xi32, #tpu.memory_space<vmem>>
        %dma_wait3A_100 = tpu.memref_squeeze %dma_wait3A_99 : memref<1x80xi32, #tpu.memory_space<vmem>> -> memref<80xi32, #tpu.memory_space<vmem>>
        %dma_wait3A_101 = arith.constant 0 : i32
        %dma_wait3A_102 = arith.constant 0 : i32
        %dma_wait3A_103 = tpu.memref_slice %arg2[%dma_wait3A_101, %dma_wait3A_102] : memref<10000x128xf32, #tpu.memory_space<hbm>> -> memref<10000x128xf32, #tpu.memory_space<hbm>>
        tpu.wait_indirect_dma semaphore(%arg13 : memref<!tpu.dma_semaphore, #tpu.memory_space<semaphore_mem>>) src(%dma_wait3A_103 : memref<10000x128xf32, #tpu.memory_space<hbm>>) dst(%dma_wait3A_97 : memref<80x128xf32, #tpu.memory_space<vmem>>)
        %scan3A_104 = arith.constant 0 : i32
        %scan3A_105 = arith.constant 0 : i32
        %scan3A_106 = arith.constant 80 : i32
        %scan3A_107 = arith.addi %scan3A_105, %scan3A_106 : i32
        %scan3A_108 = arith.constant 1 : i32
        %scan3A_109 = scf.for %scan3A_127 = %scan3A_105 to %scan3A_107 step %scan3A_108 iter_args(%scan3A_128 = %scan3A_104) -> (i32)  : i32 {
          %get3A = arith.constant 0 : i32
          %get3A_129 = arith.index_cast %get3A : i32 to index
          %get3A_130 = arith.index_cast %scan3A_127 : i32 to index
          %get3A_131 = arith.constant 0 : index
          %get3A_132 = tpu.vector_load %arg9[%get3A_129, %get3A_130, %get3A_131] {strides = array<i32>} : memref<2x80x128xf32, #tpu.memory_space<vmem>>, vector<1x1x16xf32>,
          %get3A_133 = vector.shape_cast %get3A_132 : vector<1x1x16xf32> to vector<16xf32>
          %get3A_134 = arith.constant 0 : i32
          %get3A_135 = arith.index_cast %get3A_134 : i32 to index
          %get3A_136 = arith.index_cast %scan3A_127 : i32 to index
          %get3A_137 = arith.constant 0 : index
          %get3A_138 = tpu.vector_load %arg8[%get3A_135, %get3A_136, %get3A_137] {strides = array<i32>} : memref<2x80x128xf32, #tpu.memory_space<vmem>>, vector<1x1x16xf32>,
          %get3A_139 = vector.shape_cast %get3A_138 : vector<1x1x16xf32> to vector<16xf32>
          %sub3A = arith.subf %get3A_133, %get3A_139 : vector<16xf32>
          %swap3A = arith.constant 0 : i32
          %swap3A_140 = arith.index_cast %swap3A : i32 to index
          %swap3A_141 = arith.index_cast %scan3A_127 : i32 to index
          %swap3A_142 = arith.constant 0 : index
          %swap3A_143 = tpu.vector_load %arg10[%swap3A_140, %swap3A_141, %swap3A_142] {strides = array<i32>} : memref<2x80x32xf32, #tpu.memory_space<vmem>>, vector<1x1x16xf32>,
          %swap3A_144 = vector.shape_cast %swap3A_143 : vector<1x1x16xf32> to vector<16xf32>
          %swap3A_145 = vector.shape_cast %sub3A : vector<16xf32> to vector<1x1x16xf32>
          tpu.vector_store %arg10[%swap3A_140, %swap3A_141, %swap3A_142], %swap3A_145 {strides = array<i32>} : memref<2x80x32xf32, #tpu.memory_space<vmem>>, vector<1x1x16xf32>,
          %get3A_146 = arith.constant 0 : i32
          %get3A_147 = arith.index_cast %get3A_146 : i32 to index
          %get3A_148 = arith.index_cast %scan3A_127 : i32 to index
          %get3A_149 = arith.constant 16 : index
          %get3A_150 = tpu.vector_load %arg9[%get3A_147, %get3A_148, %get3A_149] {strides = array<i32>} : memref<2x80x128xf32, #tpu.memory_space<vmem>>, vector<1x1x16xf32>,
          %get3A_151 = vector.shape_cast %get3A_150 : vector<1x1x16xf32> to vector<16xf32>
          %swap3A_152 = arith.constant 0 : i32
          %swap3A_153 = arith.index_cast %swap3A_152 : i32 to index
          %swap3A_154 = arith.index_cast %scan3A_127 : i32 to index
          %swap3A_155 = arith.constant 16 : index
          %swap3A_156 = tpu.vector_load %arg10[%swap3A_153, %swap3A_154, %swap3A_155] {strides = array<i32>} : memref<2x80x32xf32, #tpu.memory_space<vmem>>, vector<1x1x16xf32>,
          %swap3A_157 = vector.shape_cast %swap3A_156 : vector<1x1x16xf32> to vector<16xf32>
          %swap3A_158 = vector.shape_cast %get3A_151 : vector<16xf32> to vector<1x1x16xf32>
          tpu.vector_store %arg10[%swap3A_153, %swap3A_154, %swap3A_155], %swap3A_158 {strides = array<i32>} : memref<2x80x32xf32, #tpu.memory_space<vmem>>, vector<1x1x16xf32>,
          %scan3A_159 = arith.constant 0 : i32
          scf.yield %scan3A_159 : i32
        }
        %scan3A_110 = arith.constant 80 : i32
        %mul3A_111 = arith.constant 80 : i32
        %mul3A_112 = arith.muli %add3A_62, %mul3A_111 : i32
        %add3A_113 = arith.addi %mul3A_2, %mul3A_112 : i32
        %dma_start3A_114 = arith.constant 0 : i32
        %dma_start3A_115 = arith.constant 0 : i32
        %dma_start3A_116 = arith.constant 0 : i32
        %dma_start3A_117 = tpu.memref_slice %arg10[%dma_start3A_114, %dma_start3A_115, %dma_start3A_116] : memref<2x80x32xf32, #tpu.memory_space<vmem>> -> memref<1x80x32xf32, #tpu.memory_space<vmem>>
        %dma_start3A_118 = tpu.memref_squeeze %dma_start3A_117 : memref<1x80x32xf32, #tpu.memory_space<vmem>> -> memref<80x32xf32, #tpu.memory_space<vmem>>
        %dma_start3A_119 = arith.constant 0 : i32
        %dma_start3A_120 = tpu.memref_slice %arg5[%add3A_113, %dma_start3A_119] : memref<192000x32xf32, #tpu.memory_space<hbm>> -> memref<80x32xf32, #tpu.memory_space<hbm>>
        %dma_start3A_121 = arith.constant 0 : i32
        %dma_start3A_122 = tpu.memref_slice %arg5[%add3A_113, %dma_start3A_121] : memref<192000x32xf32, #tpu.memory_space<hbm>> -> memref<80x32xf32, #tpu.memory_space<hbm>>
        %dma_start3A_123 = arith.constant 0 : i32
        %dma_start3A_124 = arith.constant 0 : i32
        %dma_start3A_125 = tpu.memref_slice %arg10[%dma_start3A_114, %dma_start3A_123, %dma_start3A_124] : memref<2x80x32xf32, #tpu.memory_space<vmem>> -> memref<1x80x32xf32, #tpu.memory_space<vmem>>
        %dma_start3A_126 = tpu.memref_squeeze %dma_start3A_125 : memref<1x80x32xf32, #tpu.memory_space<vmem>> -> memref<80x32xf32, #tpu.memory_space<vmem>>
        tpu.enqueue_dma source(%dma_start3A_126 : memref<80x32xf32, #tpu.memory_space<vmem>>) target(%dma_start3A_122 : memref<80x32xf32, #tpu.memory_space<hbm>>) target_semaphore(%arg15 : memref<!tpu.dma_semaphore, #tpu.memory_space<semaphore_mem>>)
      } else {
      }
      %mul3A_65 = arith.constant 2 : i32
      %mul3A_66 = arith.muli %scan3A_57, %mul3A_65 : i32
      %add3A_67 = arith.constant 1 : i32
      %add3A_68 = arith.addi %mul3A_66, %add3A_67 : i32
      %lt3A_69 = arith.constant 75 : i32
      %lt3A_70 = arith.cmpi slt, %add3A_68, %lt3A_69 : i32
      %convert_element_type3A_71 = arith.extui %lt3A_70 : i1 to i32
      %cond3A_72 = arith.constant 0 : i32
      %cond3A_73 = arith.cmpi ne, %convert_element_type3A_71, %cond3A_72 : i32
      scf.if %cond3A_73 {
        %add3A_75 = arith.constant 1 : i32
        %add3A_76 = arith.addi %add3A_68, %add3A_75 : i32
        %lt3A_77 = arith.constant 75 : i32
        %lt3A_78 = arith.cmpi slt, %add3A_76, %lt3A_77 : i32
        %convert_element_type3A_79 = arith.extui %lt3A_78 : i1 to i32
        %cond3A_80 = arith.constant 0 : i32
        %cond3A_81 = arith.cmpi ne, %convert_element_type3A_79, %cond3A_80 : i32
        scf.if %cond3A_81 {
          %ge3A = arith.constant 1 : i32
          %ge3A_127 = arith.cmpi sge, %add3A_68, %ge3A : i32
          %convert_element_type3A_128 = arith.extui %ge3A_127 : i1 to i32
          %cond3A_129 = arith.constant 0 : i32
          %cond3A_130 = arith.cmpi ne, %convert_element_type3A_128, %cond3A_129 : i32
          scf.if %cond3A_130 {
            %dma_wait3A_155 = arith.constant 0 : i32
            %dma_wait3A_156 = arith.constant 0 : i32
            %dma_wait3A_157 = arith.constant 0 : i32
            %dma_wait3A_158 = tpu.memref_slice %arg9[%dma_wait3A_155, %dma_wait3A_156, %dma_wait3A_157] : memref<2x80x128xf32, #tpu.memory_space<vmem>> -> memref<1x80x128xf32, #tpu.memory_space<vmem>>
            %dma_wait3A_159 = tpu.memref_squeeze %dma_wait3A_158 : memref<1x80x128xf32, #tpu.memory_space<vmem>> -> memref<80x128xf32, #tpu.memory_space<vmem>>
            %dma_wait3A_160 = arith.constant 0 : i32
            %dma_wait3A_161 = tpu.memref_slice %arg5[%mul3A_2, %dma_wait3A_160] : memref<192000x32xf32, #tpu.memory_space<hbm>> -> memref<80x32xf32, #tpu.memory_space<hbm>>
            %dma_wait3A_162 = arith.constant 0 : i32
            %dma_wait3A_163 = tpu.memref_slice %arg5[%mul3A_2, %dma_wait3A_162] : memref<192000x32xf32, #tpu.memory_space<hbm>> -> memref<80x32xf32, #tpu.memory_space<hbm>>
            %dma_wait3A_164 = arith.constant 0 : i32
            %dma_wait3A_165 = arith.constant 0 : i32
            %dma_wait3A_166 = tpu.memref_slice %arg9[%dma_wait3A_155, %dma_wait3A_164, %dma_wait3A_165] : memref<2x80x128xf32, #tpu.memory_space<vmem>> -> memref<1x80x128xf32, #tpu.memory_space<vmem>>
            %dma_wait3A_167 = tpu.memref_squeeze %dma_wait3A_166 : memref<1x80x128xf32, #tpu.memory_space<vmem>> -> memref<80x128xf32, #tpu.memory_space<vmem>>
            tpu.wait_dma2 semaphore(%arg15 : memref<!tpu.dma_semaphore, #tpu.memory_space<semaphore_mem>>) src(%dma_wait3A_167 : memref<80x128xf32, #tpu.memory_space<vmem>>) dst(%dma_wait3A_163 : memref<80x32xf32, #tpu.memory_space<hbm>>)
          } else {
          }
          %add3A_131 = arith.constant 1 : i32
          %add3A_132 = arith.addi %add3A_68, %add3A_131 : i32
          %dma_start3A_133 = arith.constant 0 : i32
          %dma_start3A_134 = arith.constant 0 : i32
          %dma_start3A_135 = arith.constant 0 : i32
          %dma_start3A_136 = tpu.memref_slice %arg8[%dma_start3A_133, %dma_start3A_134, %dma_start3A_135] : memref<2x80x128xf32, #tpu.memory_space<vmem>> -> memref<1x80x128xf32, #tpu.memory_space<vmem>>
          %dma_start3A_137 = tpu.memref_squeeze %dma_start3A_136 : memref<1x80x128xf32, #tpu.memory_space<vmem>> -> memref<80x128xf32, #tpu.memory_space<vmem>>
          %dma_start3A_138 = arith.constant 0 : i32
          %dma_start3A_139 = tpu.memref_slice %arg6[%add3A_132, %dma_start3A_138] : memref<75x80xi32, #tpu.memory_space<vmem>> -> memref<1x80xi32, #tpu.memory_space<vmem>>
          %dma_start3A_140 = tpu.memref_squeeze %dma_start3A_139 : memref<1x80xi32, #tpu.memory_space<vmem>> -> memref<80xi32, #tpu.memory_space<vmem>>
          %dma_start3A_141 = arith.constant 0 : i32
          %dma_start3A_142 = arith.constant 0 : i32
          %dma_start3A_143 = tpu.memref_slice %arg2[%dma_start3A_141, %dma_start3A_142] : memref<10000x128xf32, #tpu.memory_space<hbm>> -> memref<10000x128xf32, #tpu.memory_space<hbm>>
          tpu.enqueue_indirect_dma source(%dma_start3A_143 : memref<10000x128xf32, #tpu.memory_space<hbm>>) target(%dma_start3A_137 : memref<80x128xf32, #tpu.memory_space<vmem>>) offsets(%dma_start3A_140 : memref<80xi32, #tpu.memory_space<vmem>>) semaphore(%arg11 : memref<!tpu.dma_semaphore, #tpu.memory_space<semaphore_mem>>)
          %dma_start3A_144 = arith.constant 0 : i32
          %dma_start3A_145 = arith.constant 0 : i32
          %dma_start3A_146 = arith.constant 0 : i32
          %dma_start3A_147 = tpu.memref_slice %arg9[%dma_start3A_144, %dma_start3A_145, %dma_start3A_146] : memref<2x80x128xf32, #tpu.memory_space<vmem>> -> memref<1x80x128xf32, #tpu.memory_space<vmem>>
          %dma_start3A_148 = tpu.memref_squeeze %dma_start3A_147 : memref<1x80x128xf32, #tpu.memory_space<vmem>> -> memref<80x128xf32, #tpu.memory_space<vmem>>
          %dma_start3A_149 = arith.constant 0 : i32
          %dma_start3A_150 = tpu.memref_slice %arg7[%add3A_132, %dma_start3A_149] : memref<75x80xi32, #tpu.memory_space<vmem>> -> memref<1x80xi32, #tpu.memory_space<vmem>>
          %dma_start3A_151 = tpu.memref_squeeze %dma_start3A_150 : memref<1x80xi32, #tpu.memory_space<vmem>> -> memref<80xi32, #tpu.memory_space<vmem>>
          %dma_start3A_152 = arith.constant 0 : i32
          %dma_start3A_153 = arith.constant 0 : i32
          %dma_start3A_154 = tpu.memref_slice %arg2[%dma_start3A_152, %dma_start3A_153] : memref<10000x128xf32, #tpu.memory_space<hbm>> -> memref<10000x128xf32, #tpu.memory_space<hbm>>
          tpu.enqueue_indirect_dma source(%dma_start3A_154 : memref<10000x128xf32, #tpu.memory_space<hbm>>) target(%dma_start3A_148 : memref<80x128xf32, #tpu.memory_space<vmem>>) offsets(%dma_start3A_151 : memref<80xi32, #tpu.memory_space<vmem>>) semaphore(%arg13 : memref<!tpu.dma_semaphore, #tpu.memory_space<semaphore_mem>>)
        } else {
        }
        %dma_wait3A_82 = arith.constant 1 : i32
        %dma_wait3A_83 = arith.constant 0 : i32
        %dma_wait3A_84 = arith.constant 0 : i32
        %dma_wait3A_85 = tpu.memref_slice %arg8[%dma_wait3A_82, %dma_wait3A_83, %dma_wait3A_84] : memref<2x80x128xf32, #tpu.memory_space<vmem>> -> memref<1x80x128xf32, #tpu.memory_space<vmem>>
        %dma_wait3A_86 = tpu.memref_squeeze %dma_wait3A_85 : memref<1x80x128xf32, #tpu.memory_space<vmem>> -> memref<80x128xf32, #tpu.memory_space<vmem>>
        %dma_wait3A_87 = arith.constant 0 : i32
        %dma_wait3A_88 = tpu.memref_slice %arg6[%add3A_68, %dma_wait3A_87] : memref<75x80xi32, #tpu.memory_space<vmem>> -> memref<1x80xi32, #tpu.memory_space<vmem>>
        %dma_wait3A_89 = tpu.memref_squeeze %dma_wait3A_88 : memref<1x80xi32, #tpu.memory_space<vmem>> -> memref<80xi32, #tpu.memory_space<vmem>>
        %dma_wait3A_90 = arith.constant 0 : i32
        %dma_wait3A_91 = arith.constant 0 : i32
        %dma_wait3A_92 = tpu.memref_slice %arg2[%dma_wait3A_90, %dma_wait3A_91] : memref<10000x128xf32, #tpu.memory_space<hbm>> -> memref<10000x128xf32, #tpu.memory_space<hbm>>
        tpu.wait_indirect_dma semaphore(%arg12 : memref<!tpu.dma_semaphore, #tpu.memory_space<semaphore_mem>>) src(%dma_wait3A_92 : memref<10000x128xf32, #tpu.memory_space<hbm>>) dst(%dma_wait3A_86 : memref<80x128xf32, #tpu.memory_space<vmem>>)
        %dma_wait3A_93 = arith.constant 1 : i32
        %dma_wait3A_94 = arith.constant 0 : i32
        %dma_wait3A_95 = arith.constant 0 : i32
        %dma_wait3A_96 = tpu.memref_slice %arg9[%dma_wait3A_93, %dma_wait3A_94, %dma_wait3A_95] : memref<2x80x128xf32, #tpu.memory_space<vmem>> -> memref<1x80x128xf32, #tpu.memory_space<vmem>>
        %dma_wait3A_97 = tpu.memref_squeeze %dma_wait3A_96 : memref<1x80x128xf32, #tpu.memory_space<vmem>> -> memref<80x128xf32, #tpu.memory_space<vmem>>
        %dma_wait3A_98 = arith.constant 0 : i32
        %dma_wait3A_99 = tpu.memref_slice %arg7[%add3A_68, %dma_wait3A_98] : memref<75x80xi32, #tpu.memory_space<vmem>> -> memref<1x80xi32, #tpu.memory_space<vmem>>
        %dma_wait3A_100 = tpu.memref_squeeze %dma_wait3A_99 : memref<1x80xi32, #tpu.memory_space<vmem>> -> memref<80xi32, #tpu.memory_space<vmem>>
        %dma_wait3A_101 = arith.constant 0 : i32
        %dma_wait3A_102 = arith.constant 0 : i32
        %dma_wait3A_103 = tpu.memref_slice %arg2[%dma_wait3A_101, %dma_wait3A_102] : memref<10000x128xf32, #tpu.memory_space<hbm>> -> memref<10000x128xf32, #tpu.memory_space<hbm>>
        tpu.wait_indirect_dma semaphore(%arg14 : memref<!tpu.dma_semaphore, #tpu.memory_space<semaphore_mem>>) src(%dma_wait3A_103 : memref<10000x128xf32, #tpu.memory_space<hbm>>) dst(%dma_wait3A_97 : memref<80x128xf32, #tpu.memory_space<vmem>>)
        %scan3A_104 = arith.constant 0 : i32
        %scan3A_105 = arith.constant 0 : i32
        %scan3A_106 = arith.constant 80 : i32
        %scan3A_107 = arith.addi %scan3A_105, %scan3A_106 : i32
        %scan3A_108 = arith.constant 1 : i32
        %scan3A_109 = scf.for %scan3A_127 = %scan3A_105 to %scan3A_107 step %scan3A_108 iter_args(%scan3A_128 = %scan3A_104) -> (i32)  : i32 {
          %get3A = arith.constant 1 : i32
          %get3A_129 = arith.index_cast %get3A : i32 to index
          %get3A_130 = arith.index_cast %scan3A_127 : i32 to index
          %get3A_131 = arith.constant 0 : index
          %get3A_132 = tpu.vector_load %arg9[%get3A_129, %get3A_130, %get3A_131] {strides = array<i32>} : memref<2x80x128xf32, #tpu.memory_space<vmem>>, vector<1x1x16xf32>,
          %get3A_133 = vector.shape_cast %get3A_132 : vector<1x1x16xf32> to vector<16xf32>
          %get3A_134 = arith.constant 1 : i32
          %get3A_135 = arith.index_cast %get3A_134 : i32 to index
          %get3A_136 = arith.index_cast %scan3A_127 : i32 to index
          %get3A_137 = arith.constant 0 : index
          %get3A_138 = tpu.vector_load %arg8[%get3A_135, %get3A_136, %get3A_137] {strides = array<i32>} : memref<2x80x128xf32, #tpu.memory_space<vmem>>, vector<1x1x16xf32>,
          %get3A_139 = vector.shape_cast %get3A_138 : vector<1x1x16xf32> to vector<16xf32>
          %sub3A = arith.subf %get3A_133, %get3A_139 : vector<16xf32>
          %swap3A = arith.constant 1 : i32
          %swap3A_140 = arith.index_cast %swap3A : i32 to index
          %swap3A_141 = arith.index_cast %scan3A_127 : i32 to index
          %swap3A_142 = arith.constant 0 : index
          %swap3A_143 = tpu.vector_load %arg10[%swap3A_140, %swap3A_141, %swap3A_142] {strides = array<i32>} : memref<2x80x32xf32, #tpu.memory_space<vmem>>, vector<1x1x16xf32>,
          %swap3A_144 = vector.shape_cast %swap3A_143 : vector<1x1x16xf32> to vector<16xf32>
          %swap3A_145 = vector.shape_cast %sub3A : vector<16xf32> to vector<1x1x16xf32>
          tpu.vector_store %arg10[%swap3A_140, %swap3A_141, %swap3A_142], %swap3A_145 {strides = array<i32>} : memref<2x80x32xf32, #tpu.memory_space<vmem>>, vector<1x1x16xf32>,
          %get3A_146 = arith.constant 1 : i32
          %get3A_147 = arith.index_cast %get3A_146 : i32 to index
          %get3A_148 = arith.index_cast %scan3A_127 : i32 to index
          %get3A_149 = arith.constant 16 : index
          %get3A_150 = tpu.vector_load %arg9[%get3A_147, %get3A_148, %get3A_149] {strides = array<i32>} : memref<2x80x128xf32, #tpu.memory_space<vmem>>, vector<1x1x16xf32>,
          %get3A_151 = vector.shape_cast %get3A_150 : vector<1x1x16xf32> to vector<16xf32>
          %swap3A_152 = arith.constant 1 : i32
          %swap3A_153 = arith.index_cast %swap3A_152 : i32 to index
          %swap3A_154 = arith.index_cast %scan3A_127 : i32 to index
          %swap3A_155 = arith.constant 16 : index
          %swap3A_156 = tpu.vector_load %arg10[%swap3A_153, %swap3A_154, %swap3A_155] {strides = array<i32>} : memref<2x80x32xf32, #tpu.memory_space<vmem>>, vector<1x1x16xf32>,
          %swap3A_157 = vector.shape_cast %swap3A_156 : vector<1x1x16xf32> to vector<16xf32>
          %swap3A_158 = vector.shape_cast %get3A_151 : vector<16xf32> to vector<1x1x16xf32>
          tpu.vector_store %arg10[%swap3A_153, %swap3A_154, %swap3A_155], %swap3A_158 {strides = array<i32>} : memref<2x80x32xf32, #tpu.memory_space<vmem>>, vector<1x1x16xf32>,
          %scan3A_159 = arith.constant 0 : i32
          scf.yield %scan3A_159 : i32
        }
        %scan3A_110 = arith.constant 80 : i32
        %mul3A_111 = arith.constant 80 : i32
        %mul3A_112 = arith.muli %add3A_68, %mul3A_111 : i32
        %add3A_113 = arith.addi %mul3A_2, %mul3A_112 : i32
        %dma_start3A_114 = arith.constant 1 : i32
        %dma_start3A_115 = arith.constant 0 : i32
        %dma_start3A_116 = arith.constant 0 : i32
        %dma_start3A_117 = tpu.memref_slice %arg10[%dma_start3A_114, %dma_start3A_115, %dma_start3A_116] : memref<2x80x32xf32, #tpu.memory_space<vmem>> -> memref<1x80x32xf32, #tpu.memory_space<vmem>>
        %dma_start3A_118 = tpu.memref_squeeze %dma_start3A_117 : memref<1x80x32xf32, #tpu.memory_space<vmem>> -> memref<80x32xf32, #tpu.memory_space<vmem>>
        %dma_start3A_119 = arith.constant 0 : i32
        %dma_start3A_120 = tpu.memref_slice %arg5[%add3A_113, %dma_start3A_119] : memref<192000x32xf32, #tpu.memory_space<hbm>> -> memref<80x32xf32, #tpu.memory_space<hbm>>
        %dma_start3A_121 = arith.constant 0 : i32
        %dma_start3A_122 = tpu.memref_slice %arg5[%add3A_113, %dma_start3A_121] : memref<192000x32xf32, #tpu.memory_space<hbm>> -> memref<80x32xf32, #tpu.memory_space<hbm>>
        %dma_start3A_123 = arith.constant 0 : i32
        %dma_start3A_124 = arith.constant 0 : i32
        %dma_start3A_125 = tpu.memref_slice %arg10[%dma_start3A_114, %dma_start3A_123, %dma_start3A_124] : memref<2x80x32xf32, #tpu.memory_space<vmem>> -> memref<1x80x32xf32, #tpu.memory_space<vmem>>
        %dma_start3A_126 = tpu.memref_squeeze %dma_start3A_125 : memref<1x80x32xf32, #tpu.memory_space<vmem>> -> memref<80x32xf32, #tpu.memory_space<vmem>>
        tpu.enqueue_dma source(%dma_start3A_126 : memref<80x32xf32, #tpu.memory_space<vmem>>) target(%dma_start3A_122 : memref<80x32xf32, #tpu.memory_space<hbm>>) target_semaphore(%arg16 : memref<!tpu.dma_semaphore, #tpu.memory_space<semaphore_mem>>)
      } else {
      }
      %scan3A_74 = arith.constant 0 : i32
      scf.yield %scan3A_74 : i32
    }
    %scan3A_31 = arith.constant 38 : i32
    %dma_wait3A = arith.constant 0 : i32
    %dma_wait3A_32 = arith.constant 0 : i32
    %dma_wait3A_33 = arith.constant 0 : i32
    %dma_wait3A_34 = tpu.memref_slice %arg10[%dma_wait3A, %dma_wait3A_32, %dma_wait3A_33] : memref<2x80x32xf32, #tpu.memory_space<vmem>> -> memref<1x80x32xf32, #tpu.memory_space<vmem>>
    %dma_wait3A_35 = tpu.memref_squeeze %dma_wait3A_34 : memref<1x80x32xf32, #tpu.memory_space<vmem>> -> memref<80x32xf32, #tpu.memory_space<vmem>>
    %dma_wait3A_36 = arith.constant 0 : i32
    %dma_wait3A_37 = tpu.memref_slice %arg5[%mul3A_2, %dma_wait3A_36] : memref<192000x32xf32, #tpu.memory_space<hbm>> -> memref<80x32xf32, #tpu.memory_space<hbm>>
    %dma_wait3A_38 = arith.constant 0 : i32
    %dma_wait3A_39 = tpu.memref_slice %arg5[%mul3A_2, %dma_wait3A_38] : memref<192000x32xf32, #tpu.memory_space<hbm>> -> memref<80x32xf32, #tpu.memory_space<hbm>>
    %dma_wait3A_40 = arith.constant 0 : i32
    %dma_wait3A_41 = arith.constant 0 : i32
    %dma_wait3A_42 = tpu.memref_slice %arg10[%dma_wait3A, %dma_wait3A_40, %dma_wait3A_41] : memref<2x80x32xf32, #tpu.memory_space<vmem>> -> memref<1x80x32xf32, #tpu.memory_space<vmem>>
    %dma_wait3A_43 = tpu.memref_squeeze %dma_wait3A_42 : memref<1x80x32xf32, #tpu.memory_space<vmem>> -> memref<80x32xf32, #tpu.memory_space<vmem>>
    tpu.wait_dma2 semaphore(%arg15 : memref<!tpu.dma_semaphore, #tpu.memory_space<semaphore_mem>>) src(%dma_wait3A_43 : memref<80x32xf32, #tpu.memory_space<vmem>>) dst(%dma_wait3A_39 : memref<80x32xf32, #tpu.memory_space<hbm>>)
    %dma_wait3A_44 = arith.constant 1 : i32
    %dma_wait3A_45 = arith.constant 0 : i32
    %dma_wait3A_46 = arith.constant 0 : i32
    %dma_wait3A_47 = tpu.memref_slice %arg10[%dma_wait3A_44, %dma_wait3A_45, %dma_wait3A_46] : memref<2x80x32xf32, #tpu.memory_space<vmem>> -> memref<1x80x32xf32, #tpu.memory_space<vmem>>
    %dma_wait3A_48 = tpu.memref_squeeze %dma_wait3A_47 : memref<1x80x32xf32, #tpu.memory_space<vmem>> -> memref<80x32xf32, #tpu.memory_space<vmem>>
    %dma_wait3A_49 = arith.constant 0 : i32
    %dma_wait3A_50 = tpu.memref_slice %arg5[%mul3A_2, %dma_wait3A_49] : memref<192000x32xf32, #tpu.memory_space<hbm>> -> memref<80x32xf32, #tpu.memory_space<hbm>>
    %dma_wait3A_51 = arith.constant 0 : i32
    %dma_wait3A_52 = tpu.memref_slice %arg5[%mul3A_2, %dma_wait3A_51] : memref<192000x32xf32, #tpu.memory_space<hbm>> -> memref<80x32xf32, #tpu.memory_space<hbm>>
    %dma_wait3A_53 = arith.constant 0 : i32
    %dma_wait3A_54 = arith.constant 0 : i32
    %dma_wait3A_55 = tpu.memref_slice %arg10[%dma_wait3A_44, %dma_wait3A_53, %dma_wait3A_54] : memref<2x80x32xf32, #tpu.memory_space<vmem>> -> memref<1x80x32xf32, #tpu.memory_space<vmem>>
    %dma_wait3A_56 = tpu.memref_squeeze %dma_wait3A_55 : memref<1x80x32xf32, #tpu.memory_space<vmem>> -> memref<80x32xf32, #tpu.memory_space<vmem>>
    tpu.wait_dma2 semaphore(%arg16 : memref<!tpu.dma_semaphore, #tpu.memory_space<semaphore_mem>>) src(%dma_wait3A_56 : memref<80x32xf32, #tpu.memory_space<vmem>>) dst(%dma_wait3A_52 : memref<80x32xf32, #tpu.memory_space<hbm>>)
    return
  }
}

</mosaic_0001>

<sc_bundles>
// kernel: _sc_rel.3.cloned.1.call-start
scs
__scs_entry_jumppad:
0x0: {  	(pc) =	sbr.rel $0x88, $3  }
0x1: {  	(tag) =	ssettag $0x0;
	lr =	simm.s32 $0x1  }
0x2: {  	[smem:$0x3F9E] =	sst lr;
	_ =	strace $0xD0000000  }
0x3: {  	_ = 	snop  }
0x4: {  	_ = 	snop  }
0x5: {  	_ = 	snop  }
0x6: {  	_ = 	snop  }
0x7: {  	_ = 	snop  }
__scs_overlays_trampoline_lowered:
0x8: {  	[smem:$0x3FAD] =	sst s0  }
0x9: {  	[smem:$0x3FAE] =	sst s1  }
0xa: {  	[smem:$0x3FAF] =	sst s2  }
0xb: {  	[smem:$0x3FB0] =	sst s3  }
0xc: {  	[smem:$0x3FB1] =	sst s4  }
0xd: {  	[smem:$0x3FB2] =	sst s5  }
0xe: {  	[smem:$0x3FB3] =	sst s6  }
0xf: {  	[smem:$0x3FB4] =	sst s7  }
0x10: {  	[smem:$0x3FB5] =	sst s8  }
0x11: {  	[smem:$0x3FB6] =	sst s9;
	s0 =	simm.s32 @!p0 $0x0  }
0x12: {  	s1 =	sld [smem:$0x3F9C];
	s0 =	simm.s32 @p0 $0x1  }
0x13: {  	[smem:$0x3FB7] =	sst s0;
	s0 =	simm.s32 @!p1 $0x0  }
0x14: {  	s2 =	sld [smem:$0x3F9B];
	s0 =	simm.s32 @p1 $0x1  }
0x15: {  	[smem:$0x3FB8] =	sst s0;
	s0 =	simm.s32 @!p2 $0x0  }
0x16: {  	s3 =	sld [smem:$0x3FDB];
	s0 =	simm.s32 @p2 $0x1  }
0x17: {  	s4 =	simm.s32 $0x1BF5;
	[smem:$0x3FBA] =	sst s0  }
0x18: {  	s0 =	sld [smem:$0x3F9D];
	_ =	swait.ge [sflag:s4], $0x0  }
0x19: {  	s7 =	sld [smem:$0x3F9E]  }
0x1a: {  	s8 =	sadd.s32 $0xFFFFE003, lr  }
0x1b: {  	s9 =	sadd.s32 $0xFFFFFEF7, lr;
	s5 =	simm.s32 $0xFFFFFFFF;
	p2 =	slt.u32 s8, $0xFFFFF086  }
0x1c: {  	p1 =	slt.u32 s9, $0xF7A;
	s5 =	simm.s32 @!p2 $0x0  }
0x1d: {  	s5 =	simm.s32 @p1 $0x1;
	p0 =	seq.s32 s7, s2  }
0x1e: {  	s7 =	smul.u32 @!p0 $0xF7A, s2;
	p2 =	seq.s32 @!p0 s5, $0x0  }
0x1f: {  	s9 =	smul.u32 $0xF7A, s1;
	s8 =	simm.s32 @!p0 $0x1BF5;
	p2 =	por !p2, p0  }
0x20: {  	[sflag:s8] =	ssyncset.s32 @!p0 $0xFFFFF086;
	s6 =	sadd.s32 @!p0 s3, s7;
	s7 =	simm.s32 @!p0 $0x108  }
0x21: {  	s3 =	sadd.s32 s3, s9;
	s6 =	sadd.s32 @!p0 $0x88, s6;
	s7 =	simm.s32 @p2 $0x1082  }
0x22: {  	[simem:s7], [sflag:s8] =	dma.local @!p0 [hbm:s6], $0xF7A  }
0x23: {  	s9 =	sor.u32 $0xD0000000, s2;
	s6 =	simm.s32 $0x108;
	_ =	swait.ge @!p0 [sflag:s8], $0x0  }
0x24: {  	s3 =	sadd.s32 $0x88, s3;
	s6 =	simm.s32 @!p1 $0x1082;
	[sflag:s4] =	ssyncset.s32 $0xFFFFF086  }
0x25: {  	[simem:s6], [sflag:s4] =	dma.local [hbm:s3], $0xF7A  }
0x26: {  	[smem:$0x3F9E] =	sst s1;
	(tag) =	ssettag s2;
	_ =	strace s9  }
0x27: {  	s1 =	sld [smem:$0x3FAE]  }
0x28: {  	s2 =	sld [smem:$0x3FAF]  }
0x29: {  	s4 =	sld [smem:$0x3FB1]  }
0x2a: {  	p0 =	seq.s32 s5, $0x0;
	s5 =	sld [smem:$0x3FB2]  }
0x2b: {  	s6 =	sld [smem:$0x3FB3]  }
0x2c: {  	s7 =	sld [smem:$0x3FB4]  }
0x2d: {  	s3 =	simm.s32 $0x108;
	s8 =	sld [smem:$0x3FB5]  }
0x2e: {  	s3 =	simm.s32 @!p0 $0x1082;
	s9 =	sld [smem:$0x3FB6]  }
0x2f: {  	lr =	sadd.s32 s0, s3;
	s0 =	sld [smem:$0x3FAD]  }
0x30: {  	s3 =	sld [smem:$0x3FB0]  }
0x31: {  	[smem:$0x3FB9] =	sst s10  }
0x32: {  	s10 =	sld [smem:$0x3FB7];
	_ =	sdelay $0x3  }
0x33: {  	p0 =	seq.s32 s10, $0x1;
	s10 =	sld [smem:$0x3FB9];
	_ =	sdelay $0x3  }
0x34: {  	[smem:$0x3FB9] =	sst s10  }
0x35: {  	s10 =	sld [smem:$0x3FB8];
	_ =	sdelay $0x3  }
0x36: {  	p1 =	seq.s32 s10, $0x1;
	s10 =	sld [smem:$0x3FB9];
	_ =	sdelay $0x3  }
0x37: {  	[smem:$0x3FB9] =	sst s10  }
0x38: {  	s10 =	sld [smem:$0x3FBA]  }
0x39: {  	_ = 	snop;
	(pc) =	sbr.ind lr, $3  }
0x3a: {  	_ = 	snop  }
0x3b: {  	_ = 	snop  }
0x3c: {  	p2 =	seq.s32 s10, $0x1;
	s10 =	sld [smem:$0x3FB9]  }
0x3d: {  	_ =	shalt  }
0x3e: {  	_ =	shalt  }
0x3f: {  	_ =	shalt  }
0x40: {  	_ =	shalt  }
0x41: {  	_ =	shalt  }
0x42: {  	_ =	shalt  }
0x43: {  	_ =	shalt  }
0x44: {  	_ =	shalt  }
0x45: {  	_ =	shalt  }
0x46: {  	_ =	shalt  }
0x47: {  	_ =	shalt  }
0x48: {  	_ =	shalt  }
0x49: {  	_ =	shalt  }
0x4a: {  	_ =	shalt  }
0x4b: {  	_ =	shalt  }
0x4c: {  	_ =	shalt  }
0x4d: {  	_ =	shalt  }
0x4e: {  	_ =	shalt  }
0x4f: {  	_ =	shalt  }
0x50: {  	_ =	shalt  }
0x51: {  	_ =	shalt  }
0x52: {  	_ =	shalt  }
0x53: {  	_ =	shalt  }
0x54: {  	_ =	shalt  }
0x55: {  	_ =	shalt  }
0x56: {  	_ =	shalt  }
0x57: {  	_ =	shalt  }
0x58: {  	_ =	shalt  }
0x59: {  	_ =	shalt  }
0x5a: {  	_ =	shalt  }
0x5b: {  	_ =	shalt  }
0x5c: {  	_ =	shalt  }
0x5d: {  	_ =	shalt  }
0x5e: {  	_ =	shalt  }
0x5f: {  	_ =	shalt  }
0x60: {  	_ =	shalt  }
0x61: {  	_ =	shalt  }
0x62: {  	_ =	shalt  }
0x63: {  	_ =	shalt  }
0x64: {  	_ =	shalt  }
0x65: {  	_ =	shalt  }
0x66: {  	_ =	shalt  }
0x67: {  	_ =	shalt  }
0x68: {  	_ =	shalt  }
0x69: {  	_ =	shalt  }
0x6a: {  	_ =	shalt  }
0x6b: {  	_ =	shalt  }
0x6c: {  	_ =	shalt  }
0x6d: {  	_ =	shalt  }
0x6e: {  	_ =	shalt  }
0x6f: {  	_ =	shalt  }
0x70: {  	_ =	shalt  }
0x71: {  	_ =	shalt  }
0x72: {  	_ =	shalt  }
0x73: {  	_ =	shalt  }
0x74: {  	_ =	shalt  }
0x75: {  	_ =	shalt  }
0x76: {  	_ =	shalt  }
0x77: {  	_ =	shalt  }
0x78: {  	_ =	shalt  }
0x79: {  	_ =	shalt  }
0x7a: {  	_ =	shalt  }
0x7b: {  	_ =	shalt  }
0x7c: {  	_ =	shalt  }
0x7d: {  	_ =	shalt  }
0x7e: {  	_ =	shalt  }
0x7f: {  	_ =	shalt  }
0x80: {  	_ =	shalt  }
0x81: {  	_ =	shalt  }
0x82: {  	_ =	shalt  }
0x83: {  	_ =	shalt  }
0x84: {  	_ =	shalt  }
0x85: {  	_ =	shalt  }
0x86: {  	_ =	shalt  }
0x87: {  	_ =	shalt  }
.Lfunc_end0:
.L_simem_size_0:
called_computation_lowered:
.L_overlay_start_0:
0x88: {  	s2 =	sld [smem:$0x3FD9]  }
0x89: {  	s3 =	sld [smem:$0x3FFE];
	_ =	sdelay $0x1  }
0x8a: {  	s1 =	srdreg.scid  }
0x8b: {  	s0 =	sand.u32 $0x1, s1  }
0x8c: {  	s17 =	sshll.u32 s0, $0xA;
	s2 =	sadd.s32 s3, s2  }
0x8d: {  	s2 =	sadd.s32 s2, s17  }
0x8e: {  	[smem:$0x3FC5] =	sst s2  }
0x8f: {  	_ = 	snop  }
0x90: {  	s2 =	sld [smem:$0x3FC9]  }
0x91: {  	s18 =	sld [smem:$0x3FD0];
	(tm) =	ssettm $0x1  }
0x92: {  	s4 =	sld [smem:$0x3FFB];
	_ =	sdelay $0x3  }
0x93: {  	_ =	strace s4  }
0x94: {  	s4 =	sld [smem:$0x3FFC];
	_ =	sdelay $0x3  }
0x95: {  	_ =	strace s4  }
0x96: {  	s4 =	sld [smem:$0x3FFD];
	_ =	sdelay $0x3  }
0x97: {  	_ =	strace s4  }
0x98: {  	_ =	strace $0x8FFFFFFF  }
0x99: {  	s19 =	sld [smem:$0x3FDB];
	_ =	sdelay $0x1  }
0x9a: {  	s5 =	simm.s32 $_scs_section_size  }
0x9b: {  	s6 =	simm.s32 $_size__tile_overlayer_lowered;
	s7 =	simm.s32 $_tile_overlayer_lowered  }
0x9c: {  	s22 =	simm.s32 $0x1BFF;
	s21 =	sshll.u32 s7, $0x1;
	s4 =	sadd.s32 s5, s19  }
0x9d: {  	s8 =	simm.s32 $0x0;
	s20 =	sshll.u32 s6, $0x1;
	s6 =	sadd.s32 s21, s4  }
0x9e: {  	[timem:s8], [sflag:s22] =	dma.local [hbm:s6], s20  }
0x9f: {  	_ =	swait.ge [sflag:s22], s20  }
0xa0: {  	s5 =	ssub.s32 $0x0, s20;
	[sflag:s22] =	ssyncset.done $0x0  }
0xa1: {  	[sflag:s22] =	ssyncadd.s32 s5;
	_ =	sdelay $0x1  }
0xa2: {  	s23 =	simm.s32 $0x1B8B  }
0xa3: {  	_ =	swait.ge [sflag:s23], $0x1  }
0xa4: {  	[sflag:s23] =	ssyncset.done $0x0  }
0xa5: {  	s25 =	simm.s32 $0x1B8E;
	s24 =	sld [smem:$0x3FFE];
	[sflag:s23] =	ssyncadd.s32 $0xFFFFFFFF  }
0xa6: {  	s26 =	simm.s32 $execute0_lowered;
	[smem:$0x3FD2] =	sst s25  }
0xa7: {  	s6 =	sshll.u32 s26, $0x1;
	_ =	strace $0x80000046;
	[dreg:$0x1] =	wrdreg $0xFFFFFFFF  }
0xa8: {  	s28 =	simm.s32 $_size_execute0_lowered;
	s4 =	sadd.s32 s4, s6;
	[dreg:$0x0] =	wrdreg $0x0  }
0xa9: {  	s6 =	sshll.u32 s28, $0x1;
	[dreg:$0x2] =	wrdreg s4  }
0xaa: {  	[dreg:$0x3] =	wrdreg s6  }
0xab: {  	[dreg:$0x4] =	wrdreg $0xC0  }
0xac: {  	_ =	task [dreg:s8], $0x5FFFF  }
0xad: {  	[dreg:$0x1] =	wrdreg $0xFFFFFFFF  }
0xae: {  	[dreg:$0x0] =	wrdreg $0x60  }
0xaf: {  	[dreg:$0x2] =	wrdreg s2  }
0xb0: {  	[dreg:$0x3] =	wrdreg s18  }
0xb1: {  	[dreg:$0x4] =	wrdreg s24  }
0xb2: {  	[dreg:$0x5] =	wrdreg $0x9  }
0xb3: {  	_ =	task.clear_ibuf [dreg:s8], $0x6FFFF;
	_ =	strace $0x90000046  }
0xb4: {  	s29 =	simm.s32 $0x9;
	_ =	strace $0x80000048  }
0xb5: {  	_ =	swait.ge [sflag:s29], $0x1  }
0xb6: {  	[sflag:s29] =	ssyncadd.s32 $0xFFFFFFFF  }
0xb7: {  	_ =	strace $0x90000048  }
0xb8: {  	_ =	sfence  }
0xb9: {  	s30 =	sld [smem:$0x0];
	_ =	sdelay $0x2  }
0xba: {  	s31 =	sshll.u32 s1, $0xD;
	s1 =	sshrl.u32 s1, $0x2  }
0xbb: {  	s3 =	sand.u32 $0x4000, s31;
	s1 =	sadd.s32 s1, s30  }
0xbc: {  	s0 =	sor.u32 s3, s0;
	s1 =	sshll.u32 s1, $0x11  }
0xbd: {  	s0 =	sor.u32 s1, s0  }
0xbe: {  	s0 =	sadd.s32 $0x8F2B, s0  }
0xbf: {  	[sflag:s0] =	ssyncadd.remote.s32 $0x1  }
0xc0: {  	_ =	sfence.sel $0xFFFF  }
0xc1: {  	[dreg:$0x0] =	wrdreg $0xFFFFFFFF;
	(pc) =	sbr.abs _section_cstart, $3  }
0xc2: {  	[dreg:$0x1] =	wrdreg $0xFFFFFFFF  }
0xc3: {  	_ =	task.clear_ibuf [dreg:s8], $0x2FFFF;
	_ =	strace $0x9FFFFFFF  }
0xc4: {  	(tm) =	ssettm $0x7FFFFFFF  }
0xc5: {  	_ =	shalt  }
tec
execute0_lowered:
.L_overlay_start_1:
0x0: {  	(tag) =	ssettag $0x1  }
0x1: {  	s1 =	rddreg [dreg:$0x0]  }
0x2: {  	s6 =	rddreg [dreg:$0x1]  }
0x3: {  	s2 =	srdreg.scid;
	s0 =	stileid.u32  }
0x4: {  	s4 =	rddreg [dreg:$0x2];
	s3 =	simm.s32 $0x0;
	s11 =	simm.s32 $0x50  }
0x5: {  	s12 =	simm.s32 $0x5000;
	s13 =	simm.s32 $0xA000;
	s14 =	simm.s32 $0x1  }
0x6: {  	s15 =	simm.s32 $0x3;
	s16 =	simm.s32 $0xF000;
	s17 =	simm.s32 $0x5  }
0x7: {  	s18 =	simm.s32 $0x2;
	s5 =	sand.u32 $0x1, s2;
	s7 =	sshll.u32 s0, $0x1  }
0x8: {  	s19 =	simm.s32 $0x4;
	s20 =	simm.s32 $0x11800;
	s7 =	sor.u32 s5, s7  }
0x9: {  	s21 =	simm.s32 $0x6;
	s22 =	simm.s32 $0x0;
	s8 =	smul.u32 $0x500, s7  }
.Ltmp0:
0xa: {  	[smem:$0x7FF] =	sst s3;
	s5 =	ssub.s32 $0x2, s5;
	(pc) =	sbr.rel .LBB2_1-.Ltmp0, $4  }
0xb: {  	s2 =	rddreg [dreg:$0x3];
	_ =	strace $0x80000047;
	s9 =	sshrl.u32 s5, $0x1  }
0xc: {  	s9 =	ssub.s32 s5, s9;
	s5 =	smul.u32 $0x1770, s7;
	s10 =	sadd.s32 s8, s4  }
0xd: {  	s4 =	sadd.s32 $0xA600, s4;
	s6 =	sadd.s32 s6, s8;
	s8 =	smax.u32 s9, $0x1  }
0xe: {  	s9 =	simm.s32 $0x7;
	s7 =	sadd.s32 $0x600, s10;
	s10 =	simm.s32 $0x2800  }
.LBB2_9:
0xf: {  	s22 =	sadd.s32 $0x1, s22  }
0x10: {  	_ =	swait.ge [sflag:s17], $0x2800;
	p0 =	sne.s32 s22, s8  }
.Ltmp1:
0x11: {  	[sflag:s17] =	ssyncset.done $0x0;
	(pc) =	sbr.rel @!p0 .LBB2_10-.Ltmp1, $4  }
0x12: {  	[sflag:s17] =	ssyncadd.s32 $0xFFFFD800  }
0x13: {  	_ =	swait.ge [sflag:s21], $0x2800  }
0x14: {  	[sflag:s21] =	ssyncset.done $0x0  }
0x15: {  	[sflag:s21] =	ssyncadd.s32 $0xFFFFD800  }
.LBB2_1:
0x16: {  	[tilespmem:s3], [sflag:$0x7] =	stream.linear.gather [hbm4b:s6+s3], $0x2580, $0x38;
	[tilespmem:$0x14000] =	vst v63  }
0x17: {  	_ =	swait.ge [sflag:s9], $0x2580  }
0x18: {  	[sflag:s9] =	ssyncset.done $0x0  }
0x19: {  	[sflag:s9] =	ssyncadd.s32 $0xFFFFDA80  }
0x1a: {  	[tilespmem:s10], [sflag:$0x7] =	stream.linear.gather [hbm4b:s7+s3], $0x2580, $0x38;
	[tilespmem:$0x14000] =	vst v63  }
0x1b: {  	_ =	swait.ge [sflag:s9], $0x2580  }
.Ltmp2:
0x1c: {  	[sflag:s9] =	ssyncset.done $0x0;
	(pc) =	sbr.rel .LBB2_2-.Ltmp2, $4  }
0x1d: {  	[sflag:s9] =	ssyncadd.s32 $0xFFFFDA80  }
0x1e: {  	[tilespmem:s12], [sflag:$0x1] =	stream.indirect.gather [hbm4b:s1+s11], $0x80, s3, s11, $0xb8;
	[tilespmem:$0x14000] =	vst v63  }
0x1f: {  	s23 =	simm.s32 $0x0  }
0x20: {  	[tilespmem:s13], [sflag:$0x3] =	stream.indirect.gather [hbm4b:s1+s11], $0x80, s10, s11, $0xb8;
	[tilespmem:$0x14000] =	vst v63  }
.LBB2_8:
0x21: {  	s23 =	sadd.s32 $0x1, s23  }
0x22: {  	p0 =	sne.s32 s23, $0x26  }
.Ltmp3:
0x23: {  	_ = 	snop;
	(pc) =	sbr.rel @!p0 .LBB2_9-.Ltmp3, $1  }
0x24: {  	_ =	sdelay $0x3  }
.LBB2_2:
0x25: {  	s24 =	sshllo.u32 s23, $0x1  }
0x26: {  	p0 =	sgt.u32 s24, $0x4A  }
0x27: {  	p1 =	seq.s32 @!p0 s23, $0x0  }
0x28: {  	p1 =	por p1, p0  }
0x29: {  	s25 =	simm.s32 @!p1 $0x6  }
0x2a: {  	_ =	swait.ge @!p1 [sflag:s25], $0x2800  }
0x2b: {  	s26 =	simm.s32 @!p0 $0x50;
	[sflag:s25] =	ssyncset.done @!p1 $0x0  }
0x2c: {  	s28 =	simm.s32 @!p0 $0x7800;
	[sflag:s25] =	ssyncadd.s32 @!p1 $0xFFFFD800;
	s25 =	sshll.u32 @!p0 s24, $0x7  }
0x2d: {  	[tilespmem:s28], [sflag:$0x2] =	stream.indirect.gather @!p0 [hbm4b:s1+s26], $0x80, s25, s26, $0xb8;
	[tilespmem:$0x14000] =	vst v63  }
0x2e: {  	s25 =	sadd.s32 @!p0 $0x2800, s25;
	s28 =	simm.s32 @!p0 $0xC800  }
0x2f: {  	[tilespmem:s28], [sflag:$0x4] =	stream.indirect.gather @!p0 [hbm4b:s1+s26], $0x80, s25, s26, $0xb8;
	[tilespmem:$0x14000] =	vst v63  }
0x30: {  	_ =	swait.ge [sflag:s14], $0x2800  }
0x31: {  	[sflag:s14] =	ssyncset.done $0x0  }
0x32: {  	[sflag:s14] =	ssyncadd.s32 $0xFFFFD800  }
0x33: {  	_ =	swait.ge [sflag:s15], $0x2800  }
0x34: {  	[sflag:s15] =	ssyncset.done $0x0  }
0x35: {  	s25 =	simm.s32 $0x0;
	[sflag:s15] =	ssyncadd.s32 $0xFFFFD800  }
0x36: {  	v0 =	vld [tilespmem:s25+$0xA000]  }
0x37: {  	v2 =	vld [tilespmem:s25+$0x5000]  }
0x38: {  	s26 =	simm.s32 $0x200;
	v1 =	vld [tilespmem:s25+$0xA010]  }
.LBB2_3:
0x39: {  	p1 =	sne.s32 s26, $0x9E00  }
.Ltmp4:
0x3a: {  	_ = 	snop;
	(pc) =	sbr.rel @p1 .LBB2_3-.Ltmp4, $4  }
0x3b: {  	s28 =	sshra.s32 s26, $0x2  }
0x3c: {  	v3 =	vsub.f32 v0, v2;
	v0 =	vld [tilespmem:s28+$0xA000]  }
0x3d: {  	v2 =	vld [tilespmem:s28+$0x5000];
	[tilespmem:s25+$0xF010] =	vst v1  }
0x3e: {  	s26 =	sadd.s32 $0x200, s26;
	v1 =	vld [tilespmem:s28+$0xA010];
	[tilespmem:s25+$0xF000] =	vst v3;
	s25 =	smov.u32 s28  }
0x3f: {  	_ = 	snop  }
0x40: {  	s26 =	smul.u32 $0xA0, s23  }
.Ltmp5:
0x41: {  	_ = 	snop;
	(pc) =	sbr.rel @p0 .LBB2_8-.Ltmp5, $4  }
0x42: {  	s26 =	sadd.s32 s5, s26;
	v0 =	vsub.f32 v0, v2  }
0x43: {  	s26 =	sshll.u32 s26, $0x4;
	[tilespmem:s25+$0xF010] =	vst v1  }
0x44: {  	s31 =	sadd.s32 s4, s26;
	[tilespmem:s25+$0xF000] =	vst v0  }
0x45: {  	[hbm4b:s31+s3] =	stream.linear.scatter [tilespmem:s16], [sflag:$0x5], $0x2800, $0x38;
	[tilespmem:$0x14000] =	vst v63  }
0x46: {  	_ =	swait.ge [sflag:s17], $0x2800  }
0x47: {  	s25 =	sshll.u32 s23, $0x8;
	[sflag:s17] =	ssyncset.done $0x0  }
0x48: {  	s26 =	sadd.s32 $0x100, s25;
	[sflag:s17] =	ssyncadd.s32 $0xFFFFD800  }
0x49: {  	[tilespmem:s12], [sflag:$0x1] =	stream.indirect.gather [hbm4b:s1+s11], $0x80, s26, s11, $0xb8;
	[tilespmem:$0x14000] =	vst v63  }
0x4a: {  	s25 =	sadd.s32 $0x2900, s25  }
0x4b: {  	[tilespmem:s13], [sflag:$0x3] =	stream.indirect.gather [hbm4b:s1+s11], $0x80, s25, s11, $0xb8;
	[tilespmem:$0x14000] =	vst v63  }
0x4c: {  	_ =	swait.ge [sflag:s18], $0x2800  }
0x4d: {  	[sflag:s18] =	ssyncset.done $0x0  }
0x4e: {  	[sflag:s18] =	ssyncadd.s32 $0xFFFFD800  }
0x4f: {  	_ =	swait.ge [sflag:s19], $0x2800  }
0x50: {  	[sflag:s19] =	ssyncset.done $0x0  }
0x51: {  	s25 =	simm.s32 $0x0;
	[sflag:s19] =	ssyncadd.s32 $0xFFFFD800  }
0x52: {  	v0 =	vld [tilespmem:s25+$0xC800]  }
0x53: {  	v2 =	vld [tilespmem:s25+$0x7800]  }
0x54: {  	s26 =	simm.s32 $0x200;
	v1 =	vld [tilespmem:s25+$0xC810]  }
.LBB2_6:
0x55: {  	p0 =	sne.s32 s26, $0x9E00  }
.Ltmp6:
0x56: {  	_ = 	snop;
	(pc) =	sbr.rel @p0 .LBB2_6-.Ltmp6, $4  }
0x57: {  	s28 =	sshra.s32 s26, $0x2  }
0x58: {  	v3 =	vsub.f32 v0, v2;
	v0 =	vld [tilespmem:s28+$0xC800]  }
0x59: {  	v2 =	vld [tilespmem:s28+$0x7800];
	[tilespmem:s25+$0x11810] =	vst v1  }
0x5a: {  	s26 =	sadd.s32 $0x200, s26;
	v1 =	vld [tilespmem:s28+$0xC810];
	[tilespmem:s25+$0x11800] =	vst v3;
	s25 =	smov.u32 s28  }
0x5b: {  	_ = 	snop  }
0x5c: {  	s24 =	smul.u32 $0x50, s24  }
.Ltmp7:
0x5d: {  	_ = 	snop;
	(pc) =	sbr.rel .LBB2_8-.Ltmp7, $4  }
0x5e: {  	s24 =	sadd.s32 s5, s24;
	v0 =	vsub.f32 v0, v2  }
0x5f: {  	s24 =	sshll.u32 s24, $0x4;
	[tilespmem:s25+$0x11810] =	vst v1  }
0x60: {  	s24 =	sadd.s32 s4, s24;
	[tilespmem:s25+$0x11800] =	vst v0  }
0x61: {  	[hbm4b:s24+s3] =	stream.linear.scatter [tilespmem:s20], [sflag:$0x6], $0x2800, $0x38;
	[tilespmem:$0x14000] =	vst v63  }
.LBB2_10:
0x62: {  	_ =	sfence.sel $0x180000  }
0x63: {  	[bflag:$0x0] =	sbarrier.arrive $0xFFFF  }
0x64: {  	p0 =	sne.s32 s0, $0x0;
	_ =	strace $0x90000047  }
0x65: {  	s0 =	sadd.s32 @!p0 $0x100000, s2;
	[bflag:$0x2] =	sbarrier.arrive $0xFFFF  }
0x66: {  	[sflag:s0] =	ssyncadd.tile.s32 @!p0 $0x1;
	_ =	shalt  }
.Lfunc_end2:
_tile_overlayer_lowered:
.L_overlay_start_2:
0x67: {  	(tag) =	ssettag $0x2  }
0x68: {  	s0 =	rddreg [dreg:$0x0];
	s2 =	stileid.u32  }
0x69: {  	s1 =	rddreg [dreg:$0x1];
	p0 =	sne.s32 s2, $0x0  }
0x6a: {  	s3 =	rddreg [dreg:$0x2];
	[bflag:$0x3] =	sbarrier.arrive $0xFFFF;
	s2 =	simm.s32 @!p0 $0x1C07  }
0x6b: {  	[timem:s3], [sflag:s2] =	dma.local @!p0 [hbm:s0], s1  }
0x6c: {  	s0 =	simm.s32 @!p0 $0x7  }
0x6d: {  	_ =	swait.ge @!p0 [sflag:s0], s1  }
0x6e: {  	s1 =	ssub.s32 @!p0 $0x0, s1;
	[sflag:s0] =	ssyncset.done @!p0 $0x0  }
0x6f: {  	[sflag:s0] =	ssyncadd.s32 @!p0 s1  }
0x70: {  	[bflag:$0x3] =	sbarrier.arrive $0xFFFF  }
0x71: {  	_ =	shalt  }

</sc_bundles>
